<compile_context>
chip_gen: v7x
topology: tpu7x:2x2x1
jax: 0.10.2.dev20260603
libtpu: 0.0.44.dev20260713+nightly
codegen_flags: <defaults>
</compile_context>

<pallas_src>
import jax
import jax.numpy as jnp
from jax import lax
from jax.experimental import pallas as pl
from jax.experimental.pallas import tpu as pltpu
from jax.experimental.pallas import tpu_sc as plsc

NC = 2
NS = 16
NW = NC * NS
LANES = 16
CHUNK = 80
JB = 25
PAD = 16


def _make_sc_segsum(n_acc, e, d, with_deg, jb, chunk=CHUNK, nbuf=3):
    chunks_per_tile = e // (NW * chunk)
    outer = chunks_per_tile // jb
    rows_per_tile = n_acc // NS

    mesh = plsc.VectorSubcoreMesh(core_axis_name="c", subcore_axis_name="s")

    out_type = [jax.ShapeDtypeStruct((NC, NS, rows_per_tile, d), jnp.float32)]
    scratch = [
        pltpu.VMEM((2, jb, chunk), jnp.int32),
        pltpu.VMEM((2, jb, chunk), jnp.int32),
        pltpu.VMEM((nbuf, chunk, d), jnp.float32),
        pltpu.VMEM_SHARED((n_acc, d), jnp.float32),
        pltpu.SemaphoreType.DMA((nbuf,)),
        pltpu.SemaphoreType.DMA((nbuf,)),
        pltpu.SemaphoreType.DMA((2,)),
    ]
    if with_deg:
        out_type.append(jax.ShapeDtypeStruct((NW, n_acc), jnp.float32))
        scratch.append(pltpu.VMEM((n_acc,), jnp.float32))

    def body(x_hbm, rows_hbm, cols_hbm, zrows_hbm, zn_hbm, agg_out, deg_out,
             rowbuf, colbuf, databuf, aggs, gsem, ssem, isem, degbuf):
        cid = lax.axis_index("c")
        sid = lax.axis_index("s")
        wid = cid * NS + sid
        r0 = sid * rows_per_tile
        pltpu.sync_copy(zrows_hbm, aggs.at[pl.ds(r0, rows_per_tile)])
        if with_deg:
            pltpu.sync_copy(zn_hbm, degbuf)
        plsc.subcore_barrier()

        ones = jnp.full((LANES,), 1.0, jnp.float32)

        pltpu.sync_copy(rows_hbm.at[wid, 0], rowbuf.at[0])
        pltpu.sync_copy(cols_hbm.at[wid, 0], colbuf.at[0])

        def outer_body(ob, carry):
            ib = lax.rem(ob, 2)
            nb = lax.rem(ob + 1, 2)
            rowb = rowbuf.at[ib]
            colb = colbuf.at[ib]

            @pl.when(ob + 1 < outer)
            def _():
                pltpu.async_copy(rows_hbm.at[wid, ob + 1], rowbuf.at[nb],
                                 isem.at[0])
                pltpu.async_copy(cols_hbm.at[wid, ob + 1], colbuf.at[nb],
                                 isem.at[1])

            for k in range(nbuf - 1):
                pltpu.async_copy(x_hbm.at[colb.at[k]], databuf.at[k],
                                 gsem.at[k])
            lead = nbuf - 1

            def inner(j, carry2):
                pj = lax.rem(j, nbuf)
                pn = lax.rem(j + lead, nbuf)

                @pl.when(j >= 1)
                def _():
                    pltpu.make_async_copy(databuf.at[pn],
                                          aggs.at[rowb.at[j - 1]],
                                          ssem.at[pn]).wait()

                @pl.when(j + lead < jb)
                def _():
                    pltpu.async_copy(x_hbm.at[colb.at[j + lead]],
                                     databuf.at[pn], gsem.at[pn])

                if with_deg:
                    for i in range(chunk // LANES):
                        rv = rowb[j, pl.ds(i * LANES, LANES)]
                        plsc.addupdate_scatter(degbuf, [rv], ones)

                pltpu.make_async_copy(x_hbm.at[colb.at[j]],
                                      databuf.at[pj], gsem.at[pj]).wait()
                pltpu.async_copy(databuf.at[pj], aggs.at[rowb.at[j]],
                                 ssem.at[pj], add=True)
                return carry2
            lax.fori_loop(0, jb, inner, 0)
            pb = (jb - 1) % nbuf
            pltpu.make_async_copy(databuf.at[pb],
                                  aggs.at[rowb.at[jb - 1]],
                                  ssem.at[pb]).wait()

            @pl.when(ob + 1 < outer)
            def _():
                pltpu.make_async_copy(rows_hbm.at[wid, ob + 1],
                                      rowbuf.at[nb], isem.at[0]).wait()
                pltpu.make_async_copy(cols_hbm.at[wid, ob + 1],
                                      colbuf.at[nb], isem.at[1]).wait()
            return carry
        lax.fori_loop(0, outer, outer_body, 0)

        if with_deg:
            pltpu.sync_copy(degbuf, deg_out.at[wid])
        plsc.subcore_barrier()
        pltpu.sync_copy(aggs.at[pl.ds(r0, rows_per_tile)],
                        agg_out.at[cid, sid])

    if with_deg:
        def full_body(x_hbm, rows_hbm, cols_hbm, zrows_hbm, zn_hbm,
                      agg_out, deg_out, rowbuf, colbuf, databuf, aggs, gsem,
                      ssem, isem, degbuf):
            body(x_hbm, rows_hbm, cols_hbm, zrows_hbm, zn_hbm, agg_out,
                 deg_out, rowbuf, colbuf, databuf, aggs, gsem, ssem, isem,
                 degbuf)
    else:
        def full_body(x_hbm, rows_hbm, cols_hbm, zrows_hbm, agg_out,
                      rowbuf, colbuf, databuf, aggs, gsem, ssem, isem):
            body(x_hbm, rows_hbm, cols_hbm, zrows_hbm, None, agg_out,
                 None, rowbuf, colbuf, databuf, aggs, gsem, ssem, isem,
                 None)

    return pl.kernel(full_body, out_type=out_type, mesh=mesh,
                     scratch_types=scratch,
                     compiler_params=pltpu.CompilerParams(
                         needs_layout_passes=False,
                         use_tc_tiling_on_sc=False))


_BN = 1000


def _tc_mid(aggp, degp_t, x, b1, w1, w2):
    n, d = x.shape
    dout = w2.shape[1]

    def body(aggp_ref, degp_ref, x_ref, b_ref, w1_ref, w2_ref, o_ref,
             dinv_ref):
        agg = aggp_ref[0] + aggp_ref[1]
        deginv = 1.0 / jnp.maximum(jnp.sum(degp_ref[...], axis=1), 1.0)
        z = agg * deginv[:, None] + x_ref[...]
        h = jnp.dot(z, w1_ref[...], preferred_element_type=jnp.float32)
        h = jnp.maximum(h + b_ref[...], 0.0)
        o_ref[...] = jnp.dot(h, w2_ref[...],
                             preferred_element_type=jnp.float32)
        dinv_ref[...] = deginv[:, None]

    return pl.pallas_call(
        body,
        grid=(n // _BN,),
        in_specs=[
            pl.BlockSpec((NC, _BN, d), lambda i: (0, i, 0)),
            pl.BlockSpec((_BN, NW), lambda i: (i, 0)),
            pl.BlockSpec((_BN, d), lambda i: (i, 0)),
            pl.BlockSpec((1, d), lambda i: (0, 0)),
            pl.BlockSpec((d, d), lambda i: (0, 0)),
            pl.BlockSpec((d, dout), lambda i: (0, 0)),
        ],
        out_specs=[
            pl.BlockSpec((_BN, dout), lambda i: (i, 0)),
            pl.BlockSpec((_BN, 1), lambda i: (i, 0)),
        ],
        out_shape=[
            jax.ShapeDtypeStruct((n, dout), jnp.float32),
            jax.ShapeDtypeStruct((n, 1), jnp.float32),
        ],
    )(aggp, degp_t, x, b1, w1, w2)


def _tc_final(aggp, deginv, y2, b2):
    n, d = y2.shape

    def body(aggp_ref, dinv_ref, y_ref, b_ref, o_ref):
        agg = aggp_ref[0] + aggp_ref[1]
        o_ref[...] = agg * dinv_ref[...] + y_ref[...] + b_ref[...]

    return pl.pallas_call(
        body,
        grid=(n // _BN,),
        in_specs=[
            pl.BlockSpec((NC, _BN, d), lambda i: (0, i, 0)),
            pl.BlockSpec((_BN, 1), lambda i: (i, 0)),
            pl.BlockSpec((_BN, d), lambda i: (i, 0)),
            pl.BlockSpec((1, d), lambda i: (0, 0)),
        ],
        out_specs=pl.BlockSpec((_BN, d), lambda i: (i, 0)),
        out_shape=jax.ShapeDtypeStruct((n, d), jnp.float32),
    )(aggp, deginv, y2, b2)


def kernel(x, edge_index, W1, b1, W2, b2):
    n, d = x.shape
    e = edge_index.shape[1]
    d2 = W2.shape[1]
    n_acc = n + PAD
    e_pad = -(-e // (NW * CHUNK * JB)) * (NW * CHUNK * JB)
    row_flat, col_flat = edge_index[0], edge_index[1]
    if e_pad != e:
        row_flat = jnp.concatenate(
            [row_flat, jnp.full((e_pad - e,), n, jnp.int32)])
        col_flat = jnp.concatenate(
            [col_flat, jnp.zeros((e_pad - e,), jnp.int32)])
    cpt = e_pad // (NW * CHUNK)
    rows1 = row_flat.reshape(NW, cpt // JB, JB, CHUNK)
    cols1 = col_flat.reshape(NW, cpt // JB, JB, CHUNK)
    chunk2 = 125
    cpt2 = e_pad // (NW * chunk2)
    rows2 = row_flat.reshape(NW, 1, cpt2, chunk2)
    cols2 = col_flat.reshape(NW, 1, cpt2, chunk2)
    zrows = jnp.zeros((n_acc // NS, d), jnp.float32)
    zrows2 = jnp.zeros((n_acc // NS, d2), jnp.float32)
    zn = jnp.zeros((n_acc,), jnp.float32)

    agg1, degp = _make_sc_segsum(n_acc, e_pad, d, True, JB)(x, rows1, cols1,
                                                            zrows, zn)
    y2, deginv = _tc_mid(agg1.reshape(NC, n_acc, d), degp.T, x,
                         b1.reshape(1, -1), W1, W2)
    (agg2,) = _make_sc_segsum(n_acc, e_pad, d2, False, cpt2,
                              chunk2, nbuf=4)(y2, rows2, cols2, zrows2)
    out = _tc_final(agg2.reshape(NC, n_acc, d2), deginv, y2,
                    b2.reshape(1, -1))
    return out

# --- scband reference (transcript-rebuilt; emitter-appended) ---
"""Pipeline reference for scband-gcnencoder-23922967838756 (READ-ONLY COPY).

The authoritative reference and input builder live on the scoring server;
editing this copy changes nothing except your own understanding.
"""

import jax, jax.numpy as jnp
import numpy as np


def gcn_conv(x, edge_index, W, b):
    n = x.shape[0]
    row = edge_index[0]
    col = edge_index[1]
    # scatter-add aggregation: agg[row] += x[col]
    agg = jax.ops.segment_sum(x[col], row, num_segments=n)
    # degree via scatter-add of ones
    deg = jax.ops.segment_sum(jnp.ones(row.shape[0], dtype=x.dtype), row, num_segments=n)
    deg = jnp.clip(deg, 1.0, None)[:, None]
    agg = agg / deg
    return (agg + x) @ W + b


def setup_inputs(seed: int = 0) -> dict:
    key = jax.random.key(seed)
    k1, k2, k3, k4 = jax.random.split(key, 4)
    N = 10000
    E = 320000
    d_in = 128
    hidden = 128
    d_out = 64
    x = jax.random.normal(k1, (N, d_in), dtype=jnp.float32)
    edge_index = jax.random.randint(k2, (2, E), 0, N, dtype=jnp.int32)
    W1 = jax.random.normal(k3, (d_in, hidden), dtype=jnp.float32) * 0.02
    b1 = jnp.zeros((hidden,), dtype=jnp.float32)
    W2 = jax.random.normal(k4, (hidden, d_out), dtype=jnp.float32) * 0.02
    b2 = jnp.zeros((d_out,), dtype=jnp.float32)
    return {"x": x, "edge_index": edge_index, "W1": W1, "b1": b1, "W2": W2, "b2": b2}


def reference(x, edge_index, W1, b1, W2, b2):
    h = gcn_conv(x, edge_index, W1, b1)
    h = jax.nn.relu(h)
    h = gcn_conv(h, edge_index, W2, b2)
    return h

if __name__ == "__main__":
    import jax
    _d = setup_inputs()
    print(jax.jit(kernel)(*tuple(_d.values())))

</pallas_src>

<mosaic_0001>
#map = affine_map<(d0, d1) -> (0, 0)>
#map1 = affine_map<(d0, d1) -> (0, 0, 0, 0)>
#map2 = affine_map<(d0, d1) -> (0)>
module attributes {stable_mosaic.version = 14 : i64} {
  func.func @full_body(%arg0: i32, %arg1: i32, %arg2: memref<10000x128xf32, #tpu.memory_space<hbm>>, %arg3: memref<32x5x25x80xi32, #tpu.memory_space<hbm>>, %arg4: memref<32x5x25x80xi32, #tpu.memory_space<hbm>>, %arg5: memref<626x128xf32, #tpu.memory_space<hbm>>, %arg6: memref<10016xf32, #tpu.memory_space<hbm>>, %arg7: memref<2x16x626x128xf32, #tpu.memory_space<hbm>>, %arg8: memref<32x10016xf32, #tpu.memory_space<hbm>>, %arg9: memref<2x25x80xi32, #tpu.memory_space<vmem>>, %arg10: memref<2x25x80xi32, #tpu.memory_space<vmem>>, %arg11: memref<3x80x128xf32, #tpu.memory_space<vmem>>, %arg12: memref<10016x128xf32, #tpu.memory_space<vmem_shared>>, %arg13: memref<3x!tpu.dma_semaphore, #tpu.memory_space<semaphore_mem>>, %arg14: memref<3x!tpu.dma_semaphore, #tpu.memory_space<semaphore_mem>>, %arg15: memref<2x!tpu.dma_semaphore, #tpu.memory_space<semaphore_mem>>, %arg16: memref<10016xf32, #tpu.memory_space<vmem>>) attributes {dimension_semantics = [#tpu.dimension_semantics<core_parallel>, #tpu.dimension_semantics<subcore_parallel>], iteration_bounds = array<i64: 2, 16>, scalar_prefetch = 0 : i64, scratch_operands = 8 : i64, tpu.core_type = #tpu.core_type<sc_vector_subcore>, window_params = [{transform_indices = #map}, {transform_indices = #map1}, {transform_indices = #map1}, {transform_indices = #map}, {transform_indices = #map2}, {transform_indices = #map1}, {transform_indices = #map}]} {
    %mul3A = arith.constant 16 : i32
    %mul3A_0 = arith.muli %arg0, %mul3A : i32
    %add3A = arith.addi %mul3A_0, %arg1 : i32
    %mul3A_1 = arith.constant 626 : i32
    %mul3A_2 = arith.muli %arg1, %mul3A_1 : i32
    "tpu.region"() ({
      %run_scoped3A_13 = tpu.sem_alloc : memref<!tpu.dma_semaphore, #tpu.memory_space<semaphore_mem>>
      %dma_start3A = arith.constant 0 : i32
      %dma_start3A_14 = tpu.memref_slice %arg12[%mul3A_2, %dma_start3A] : memref<10016x128xf32, #tpu.memory_space<vmem_shared>> -> memref<626x128xf32, #tpu.memory_space<vmem_shared>>
      tpu.enqueue_dma source(%arg5 : memref<626x128xf32, #tpu.memory_space<hbm>>) target(%dma_start3A_14 : memref<626x128xf32, #tpu.memory_space<vmem_shared>>) target_semaphore(%run_scoped3A_13 : memref<!tpu.dma_semaphore, #tpu.memory_space<semaphore_mem>>)
      %dma_wait3A = arith.constant 0 : i32
      %dma_wait3A_15 = tpu.memref_slice %arg12[%mul3A_2, %dma_wait3A] : memref<10016x128xf32, #tpu.memory_space<vmem_shared>> -> memref<626x128xf32, #tpu.memory_space<vmem_shared>>
      tpu.wait_dma2 semaphore(%run_scoped3A_13 : memref<!tpu.dma_semaphore, #tpu.memory_space<semaphore_mem>>) src(%arg5 : memref<626x128xf32, #tpu.memory_space<hbm>>) dst(%dma_wait3A_15 : memref<626x128xf32, #tpu.memory_space<vmem_shared>>)
      tpu.yield
    }) : () -> ()
    "tpu.region"() ({
      %run_scoped3A_13 = tpu.sem_alloc : memref<!tpu.dma_semaphore, #tpu.memory_space<semaphore_mem>>
      tpu.enqueue_dma source(%arg6 : memref<10016xf32, #tpu.memory_space<hbm>>) target(%arg16 : memref<10016xf32, #tpu.memory_space<vmem>>) target_semaphore(%run_scoped3A_13 : memref<!tpu.dma_semaphore, #tpu.memory_space<semaphore_mem>>)
      tpu.wait_dma2 semaphore(%run_scoped3A_13 : memref<!tpu.dma_semaphore, #tpu.memory_space<semaphore_mem>>) src(%arg6 : memref<10016xf32, #tpu.memory_space<hbm>>) dst(%arg16 : memref<10016xf32, #tpu.memory_space<vmem>>)
      tpu.yield
    }) : () -> ()
    %barrier3A = arith.constant 0 : index
    tpu.barrier barrier_id(%barrier3A)
    %broadcast_in_dim3A = arith.constant 1.000000e+00 : f32
    %broadcast_in_dim3A_3 = vector.broadcast %broadcast_in_dim3A : f32 to vector<16xf32>
    %run_scoped3A = arith.constant 0 : i32
    %run_scoped3A_4 = arith.constant 0 : i32
    "tpu.region"() ({
      %run_scoped3A_13 = tpu.sem_alloc : memref<!tpu.dma_semaphore, #tpu.memory_space<semaphore_mem>>
      %dma_start3A = arith.constant 0 : i32
      %dma_start3A_14 = arith.constant 0 : i32
      %dma_start3A_15 = tpu.memref_slice %arg9[%run_scoped3A_4, %dma_start3A, %dma_start3A_14] : memref<2x25x80xi32, #tpu.memory_space<vmem>> -> memref<1x25x80xi32, #tpu.memory_space<vmem>>
      %dma_start3A_16 = tpu.memref_squeeze %dma_start3A_15 : memref<1x25x80xi32, #tpu.memory_space<vmem>> -> memref<25x80xi32, #tpu.memory_space<vmem>>
      %dma_start3A_17 = arith.constant 0 : i32
      %dma_start3A_18 = arith.constant 0 : i32
      %dma_start3A_19 = tpu.memref_slice %arg3[%add3A, %run_scoped3A, %dma_start3A_17, %dma_start3A_18] : memref<32x5x25x80xi32, #tpu.memory_space<hbm>> -> memref<1x1x25x80xi32, #tpu.memory_space<hbm>>
      %dma_start3A_20 = tpu.memref_squeeze %dma_start3A_19 : memref<1x1x25x80xi32, #tpu.memory_space<hbm>> -> memref<25x80xi32, #tpu.memory_space<hbm>>
      %dma_start3A_21 = arith.constant 0 : i32
      %dma_start3A_22 = arith.constant 0 : i32
      %dma_start3A_23 = tpu.memref_slice %arg9[%run_scoped3A_4, %dma_start3A_21, %dma_start3A_22] : memref<2x25x80xi32, #tpu.memory_space<vmem>> -> memref<1x25x80xi32, #tpu.memory_space<vmem>>
      %dma_start3A_24 = tpu.memref_squeeze %dma_start3A_23 : memref<1x25x80xi32, #tpu.memory_space<vmem>> -> memref<25x80xi32, #tpu.memory_space<vmem>>
      %dma_start3A_25 = arith.constant 0 : i32
      %dma_start3A_26 = arith.constant 0 : i32
      %dma_start3A_27 = tpu.memref_slice %arg3[%add3A, %run_scoped3A, %dma_start3A_25, %dma_start3A_26] : memref<32x5x25x80xi32, #tpu.memory_space<hbm>> -> memref<1x1x25x80xi32, #tpu.memory_space<hbm>>
      %dma_start3A_28 = tpu.memref_squeeze %dma_start3A_27 : memref<1x1x25x80xi32, #tpu.memory_space<hbm>> -> memref<25x80xi32, #tpu.memory_space<hbm>>
      tpu.enqueue_dma source(%dma_start3A_28 : memref<25x80xi32, #tpu.memory_space<hbm>>) target(%dma_start3A_24 : memref<25x80xi32, #tpu.memory_space<vmem>>) target_semaphore(%run_scoped3A_13 : memref<!tpu.dma_semaphore, #tpu.memory_space<semaphore_mem>>)
      %dma_wait3A = arith.constant 0 : i32
      %dma_wait3A_29 = arith.constant 0 : i32
      %dma_wait3A_30 = tpu.memref_slice %arg9[%run_scoped3A_4, %dma_wait3A, %dma_wait3A_29] : memref<2x25x80xi32, #tpu.memory_space<vmem>> -> memref<1x25x80xi32, #tpu.memory_space<vmem>>
      %dma_wait3A_31 = tpu.memref_squeeze %dma_wait3A_30 : memref<1x25x80xi32, #tpu.memory_space<vmem>> -> memref<25x80xi32, #tpu.memory_space<vmem>>
      %dma_wait3A_32 = arith.constant 0 : i32
      %dma_wait3A_33 = arith.constant 0 : i32
      %dma_wait3A_34 = tpu.memref_slice %arg3[%add3A, %run_scoped3A, %dma_wait3A_32, %dma_wait3A_33] : memref<32x5x25x80xi32, #tpu.memory_space<hbm>> -> memref<1x1x25x80xi32, #tpu.memory_space<hbm>>
      %dma_wait3A_35 = tpu.memref_squeeze %dma_wait3A_34 : memref<1x1x25x80xi32, #tpu.memory_space<hbm>> -> memref<25x80xi32, #tpu.memory_space<hbm>>
      %dma_wait3A_36 = arith.constant 0 : i32
      %dma_wait3A_37 = arith.constant 0 : i32
      %dma_wait3A_38 = tpu.memref_slice %arg9[%run_scoped3A_4, %dma_wait3A_36, %dma_wait3A_37] : memref<2x25x80xi32, #tpu.memory_space<vmem>> -> memref<1x25x80xi32, #tpu.memory_space<vmem>>
      %dma_wait3A_39 = tpu.memref_squeeze %dma_wait3A_38 : memref<1x25x80xi32, #tpu.memory_space<vmem>> -> memref<25x80xi32, #tpu.memory_space<vmem>>
      %dma_wait3A_40 = arith.constant 0 : i32
      %dma_wait3A_41 = arith.constant 0 : i32
      %dma_wait3A_42 = tpu.memref_slice %arg3[%add3A, %run_scoped3A, %dma_wait3A_40, %dma_wait3A_41] : memref<32x5x25x80xi32, #tpu.memory_space<hbm>> -> memref<1x1x25x80xi32, #tpu.memory_space<hbm>>
      %dma_wait3A_43 = tpu.memref_squeeze %dma_wait3A_42 : memref<1x1x25x80xi32, #tpu.memory_space<hbm>> -> memref<25x80xi32, #tpu.memory_space<hbm>>
      tpu.wait_dma2 semaphore(%run_scoped3A_13 : memref<!tpu.dma_semaphore, #tpu.memory_space<semaphore_mem>>) src(%dma_wait3A_43 : memref<25x80xi32, #tpu.memory_space<hbm>>) dst(%dma_wait3A_39 : memref<25x80xi32, #tpu.memory_space<vmem>>)
      tpu.yield
    }) : () -> ()
    %run_scoped3A_5 = arith.constant 0 : i32
    %run_scoped3A_6 = arith.constant 0 : i32
    "tpu.region"() ({
      %run_scoped3A_13 = tpu.sem_alloc : memref<!tpu.dma_semaphore, #tpu.memory_space<semaphore_mem>>
      %dma_start3A = arith.constant 0 : i32
      %dma_start3A_14 = arith.constant 0 : i32
      %dma_start3A_15 = tpu.memref_slice %arg10[%run_scoped3A_6, %dma_start3A, %dma_start3A_14] : memref<2x25x80xi32, #tpu.memory_space<vmem>> -> memref<1x25x80xi32, #tpu.memory_space<vmem>>
      %dma_start3A_16 = tpu.memref_squeeze %dma_start3A_15 : memref<1x25x80xi32, #tpu.memory_space<vmem>> -> memref<25x80xi32, #tpu.memory_space<vmem>>
      %dma_start3A_17 = arith.constant 0 : i32
      %dma_start3A_18 = arith.constant 0 : i32
      %dma_start3A_19 = tpu.memref_slice %arg4[%add3A, %run_scoped3A_5, %dma_start3A_17, %dma_start3A_18] : memref<32x5x25x80xi32, #tpu.memory_space<hbm>> -> memref<1x1x25x80xi32, #tpu.memory_space<hbm>>
      %dma_start3A_20 = tpu.memref_squeeze %dma_start3A_19 : memref<1x1x25x80xi32, #tpu.memory_space<hbm>> -> memref<25x80xi32, #tpu.memory_space<hbm>>
      %dma_start3A_21 = arith.constant 0 : i32
      %dma_start3A_22 = arith.constant 0 : i32
      %dma_start3A_23 = tpu.memref_slice %arg10[%run_scoped3A_6, %dma_start3A_21, %dma_start3A_22] : memref<2x25x80xi32, #tpu.memory_space<vmem>> -> memref<1x25x80xi32, #tpu.memory_space<vmem>>
      %dma_start3A_24 = tpu.memref_squeeze %dma_start3A_23 : memref<1x25x80xi32, #tpu.memory_space<vmem>> -> memref<25x80xi32, #tpu.memory_space<vmem>>
      %dma_start3A_25 = arith.constant 0 : i32
      %dma_start3A_26 = arith.constant 0 : i32
      %dma_start3A_27 = tpu.memref_slice %arg4[%add3A, %run_scoped3A_5, %dma_start3A_25, %dma_start3A_26] : memref<32x5x25x80xi32, #tpu.memory_space<hbm>> -> memref<1x1x25x80xi32, #tpu.memory_space<hbm>>
      %dma_start3A_28 = tpu.memref_squeeze %dma_start3A_27 : memref<1x1x25x80xi32, #tpu.memory_space<hbm>> -> memref<25x80xi32, #tpu.memory_space<hbm>>
      tpu.enqueue_dma source(%dma_start3A_28 : memref<25x80xi32, #tpu.memory_space<hbm>>) target(%dma_start3A_24 : memref<25x80xi32, #tpu.memory_space<vmem>>) target_semaphore(%run_scoped3A_13 : memref<!tpu.dma_semaphore, #tpu.memory_space<semaphore_mem>>)
      %dma_wait3A = arith.constant 0 : i32
      %dma_wait3A_29 = arith.constant 0 : i32
      %dma_wait3A_30 = tpu.memref_slice %arg10[%run_scoped3A_6, %dma_wait3A, %dma_wait3A_29] : memref<2x25x80xi32, #tpu.memory_space<vmem>> -> memref<1x25x80xi32, #tpu.memory_space<vmem>>
      %dma_wait3A_31 = tpu.memref_squeeze %dma_wait3A_30 : memref<1x25x80xi32, #tpu.memory_space<vmem>> -> memref<25x80xi32, #tpu.memory_space<vmem>>
      %dma_wait3A_32 = arith.constant 0 : i32
      %dma_wait3A_33 = arith.constant 0 : i32
      %dma_wait3A_34 = tpu.memref_slice %arg4[%add3A, %run_scoped3A_5, %dma_wait3A_32, %dma_wait3A_33] : memref<32x5x25x80xi32, #tpu.memory_space<hbm>> -> memref<1x1x25x80xi32, #tpu.memory_space<hbm>>
      %dma_wait3A_35 = tpu.memref_squeeze %dma_wait3A_34 : memref<1x1x25x80xi32, #tpu.memory_space<hbm>> -> memref<25x80xi32, #tpu.memory_space<hbm>>
      %dma_wait3A_36 = arith.constant 0 : i32
      %dma_wait3A_37 = arith.constant 0 : i32
      %dma_wait3A_38 = tpu.memref_slice %arg10[%run_scoped3A_6, %dma_wait3A_36, %dma_wait3A_37] : memref<2x25x80xi32, #tpu.memory_space<vmem>> -> memref<1x25x80xi32, #tpu.memory_space<vmem>>
      %dma_wait3A_39 = tpu.memref_squeeze %dma_wait3A_38 : memref<1x25x80xi32, #tpu.memory_space<vmem>> -> memref<25x80xi32, #tpu.memory_space<vmem>>
      %dma_wait3A_40 = arith.constant 0 : i32
      %dma_wait3A_41 = arith.constant 0 : i32
      %dma_wait3A_42 = tpu.memref_slice %arg4[%add3A, %run_scoped3A_5, %dma_wait3A_40, %dma_wait3A_41] : memref<32x5x25x80xi32, #tpu.memory_space<hbm>> -> memref<1x1x25x80xi32, #tpu.memory_space<hbm>>
      %dma_wait3A_43 = tpu.memref_squeeze %dma_wait3A_42 : memref<1x1x25x80xi32, #tpu.memory_space<hbm>> -> memref<25x80xi32, #tpu.memory_space<hbm>>
      tpu.wait_dma2 semaphore(%run_scoped3A_13 : memref<!tpu.dma_semaphore, #tpu.memory_space<semaphore_mem>>) src(%dma_wait3A_43 : memref<25x80xi32, #tpu.memory_space<hbm>>) dst(%dma_wait3A_39 : memref<25x80xi32, #tpu.memory_space<vmem>>)
      tpu.yield
    }) : () -> ()
    %scan3A = arith.constant 0 : i32
    %scan3A_7 = arith.constant 0 : i32
    %scan3A_8 = arith.constant 5 : i32
    %scan3A_9 = arith.addi %scan3A_7, %scan3A_8 : i32
    %scan3A_10 = arith.constant 1 : i32
    scf.for %scan3A_13 = %scan3A_7 to %scan3A_9 step %scan3A_10  : i32 {
      %rem3A = arith.constant 2 : i32
      %rem3A_14 = arith.remsi %scan3A_13, %rem3A : i32
      %add3A_15 = arith.constant 1 : i32
      %add3A_16 = arith.addi %scan3A_13, %add3A_15 : i32
      %rem3A_17 = arith.constant 2 : i32
      %rem3A_18 = arith.remsi %add3A_16, %rem3A_17 : i32
      %add3A_19 = arith.constant 1 : i32
      %add3A_20 = arith.addi %scan3A_13, %add3A_19 : i32
      %lt3A = arith.constant 5 : i32
      %lt3A_21 = arith.cmpi slt, %add3A_20, %lt3A : i32
      %convert_element_type3A = arith.extui %lt3A_21 : i1 to i32
      %cond3A = arith.constant 0 : i32
      %cond3A_22 = arith.cmpi ne, %convert_element_type3A, %cond3A : i32
      scf.if %cond3A_22 {
        %add3A_91 = arith.constant 1 : i32
        %add3A_92 = arith.addi %scan3A_13, %add3A_91 : i32
        %dma_start3A_93 = arith.constant 0 : i32
        %dma_start3A_94 = arith.constant 0 : i32
        %dma_start3A_95 = arith.constant 0 : i32
        %dma_start3A_96 = tpu.memref_slice %arg9[%rem3A_18, %dma_start3A_94, %dma_start3A_95] : memref<2x25x80xi32, #tpu.memory_space<vmem>> -> memref<1x25x80xi32, #tpu.memory_space<vmem>>
        %dma_start3A_97 = tpu.memref_squeeze %dma_start3A_96 : memref<1x25x80xi32, #tpu.memory_space<vmem>> -> memref<25x80xi32, #tpu.memory_space<vmem>>
        %dma_start3A_98 = arith.constant 0 : i32
        %dma_start3A_99 = arith.constant 0 : i32
        %dma_start3A_100 = tpu.memref_slice %arg3[%add3A, %add3A_92, %dma_start3A_98, %dma_start3A_99] : memref<32x5x25x80xi32, #tpu.memory_space<hbm>> -> memref<1x1x25x80xi32, #tpu.memory_space<hbm>>
        %dma_start3A_101 = tpu.memref_squeeze %dma_start3A_100 : memref<1x1x25x80xi32, #tpu.memory_space<hbm>> -> memref<25x80xi32, #tpu.memory_space<hbm>>
        %dma_start3A_102 = tpu.memref_slice %arg15[%dma_start3A_93] : memref<2x!tpu.dma_semaphore, #tpu.memory_space<semaphore_mem>> -> memref<1x!tpu.dma_semaphore, #tpu.memory_space<semaphore_mem>>
        %dma_start3A_103 = tpu.memref_squeeze %dma_start3A_102 : memref<1x!tpu.dma_semaphore, #tpu.memory_space<semaphore_mem>> -> memref<!tpu.dma_semaphore, #tpu.memory_space<semaphore_mem>>
        %dma_start3A_104 = arith.constant 0 : i32
        %dma_start3A_105 = arith.constant 0 : i32
        %dma_start3A_106 = tpu.memref_slice %arg9[%rem3A_18, %dma_start3A_104, %dma_start3A_105] : memref<2x25x80xi32, #tpu.memory_space<vmem>> -> memref<1x25x80xi32, #tpu.memory_space<vmem>>
        %dma_start3A_107 = tpu.memref_squeeze %dma_start3A_106 : memref<1x25x80xi32, #tpu.memory_space<vmem>> -> memref<25x80xi32, #tpu.memory_space<vmem>>
        %dma_start3A_108 = arith.constant 0 : i32
        %dma_start3A_109 = arith.constant 0 : i32
        %dma_start3A_110 = tpu.memref_slice %arg3[%add3A, %add3A_92, %dma_start3A_108, %dma_start3A_109] : memref<32x5x25x80xi32, #tpu.memory_space<hbm>> -> memref<1x1x25x80xi32, #tpu.memory_space<hbm>>
        %dma_start3A_111 = tpu.memref_squeeze %dma_start3A_110 : memref<1x1x25x80xi32, #tpu.memory_space<hbm>> -> memref<25x80xi32, #tpu.memory_space<hbm>>
        tpu.enqueue_dma source(%dma_start3A_111 : memref<25x80xi32, #tpu.memory_space<hbm>>) target(%dma_start3A_107 : memref<25x80xi32, #tpu.memory_space<vmem>>) target_semaphore(%dma_start3A_103 : memref<!tpu.dma_semaphore, #tpu.memory_space<semaphore_mem>>)
        %add3A_112 = arith.constant 1 : i32
        %add3A_113 = arith.addi %scan3A_13, %add3A_112 : i32
        %dma_start3A_114 = arith.constant 1 : i32
        %dma_start3A_115 = arith.constant 0 : i32
        %dma_start3A_116 = arith.constant 0 : i32
        %dma_start3A_117 = tpu.memref_slice %arg10[%rem3A_18, %dma_start3A_115, %dma_start3A_116] : memref<2x25x80xi32, #tpu.memory_space<vmem>> -> memref<1x25x80xi32, #tpu.memory_space<vmem>>
        %dma_start3A_118 = tpu.memref_squeeze %dma_start3A_117 : memref<1x25x80xi32, #tpu.memory_space<vmem>> -> memref<25x80xi32, #tpu.memory_space<vmem>>
        %dma_start3A_119 = arith.constant 0 : i32
        %dma_start3A_120 = arith.constant 0 : i32
        %dma_start3A_121 = tpu.memref_slice %arg4[%add3A, %add3A_113, %dma_start3A_119, %dma_start3A_120] : memref<32x5x25x80xi32, #tpu.memory_space<hbm>> -> memref<1x1x25x80xi32, #tpu.memory_space<hbm>>
        %dma_start3A_122 = tpu.memref_squeeze %dma_start3A_121 : memref<1x1x25x80xi32, #tpu.memory_space<hbm>> -> memref<25x80xi32, #tpu.memory_space<hbm>>
        %dma_start3A_123 = tpu.memref_slice %arg15[%dma_start3A_114] : memref<2x!tpu.dma_semaphore, #tpu.memory_space<semaphore_mem>> -> memref<1x!tpu.dma_semaphore, #tpu.memory_space<semaphore_mem>>
        %dma_start3A_124 = tpu.memref_squeeze %dma_start3A_123 : memref<1x!tpu.dma_semaphore, #tpu.memory_space<semaphore_mem>> -> memref<!tpu.dma_semaphore, #tpu.memory_space<semaphore_mem>>
        %dma_start3A_125 = arith.constant 0 : i32
        %dma_start3A_126 = arith.constant 0 : i32
        %dma_start3A_127 = tpu.memref_slice %arg10[%rem3A_18, %dma_start3A_125, %dma_start3A_126] : memref<2x25x80xi32, #tpu.memory_space<vmem>> -> memref<1x25x80xi32, #tpu.memory_space<vmem>>
        %dma_start3A_128 = tpu.memref_squeeze %dma_start3A_127 : memref<1x25x80xi32, #tpu.memory_space<vmem>> -> memref<25x80xi32, #tpu.memory_space<vmem>>
        %dma_start3A_129 = arith.constant 0 : i32
        %dma_start3A_130 = arith.constant 0 : i32
        %dma_start3A_131 = tpu.memref_slice %arg4[%add3A, %add3A_113, %dma_start3A_129, %dma_start3A_130] : memref<32x5x25x80xi32, #tpu.memory_space<hbm>> -> memref<1x1x25x80xi32, #tpu.memory_space<hbm>>
        %dma_start3A_132 = tpu.memref_squeeze %dma_start3A_131 : memref<1x1x25x80xi32, #tpu.memory_space<hbm>> -> memref<25x80xi32, #tpu.memory_space<hbm>>
        tpu.enqueue_dma source(%dma_start3A_132 : memref<25x80xi32, #tpu.memory_space<hbm>>) target(%dma_start3A_128 : memref<25x80xi32, #tpu.memory_space<vmem>>) target_semaphore(%dma_start3A_124 : memref<!tpu.dma_semaphore, #tpu.memory_space<semaphore_mem>>)
      } else {
      }
      %dma_start3A = arith.constant 0 : i32
      %dma_start3A_23 = arith.constant 0 : i32
      %dma_start3A_24 = arith.constant 0 : i32
      %dma_start3A_25 = arith.constant 0 : i32
      %dma_start3A_26 = arith.constant 0 : i32
      %dma_start3A_27 = tpu.memref_slice %arg11[%dma_start3A_23, %dma_start3A_25, %dma_start3A_26] : memref<3x80x128xf32, #tpu.memory_space<vmem>> -> memref<1x80x128xf32, #tpu.memory_space<vmem>>
      %dma_start3A_28 = tpu.memref_squeeze %dma_start3A_27 : memref<1x80x128xf32, #tpu.memory_space<vmem>> -> memref<80x128xf32, #tpu.memory_space<vmem>>
      %dma_start3A_29 = arith.constant 0 : i32
      %dma_start3A_30 = arith.constant 0 : i32
      %dma_start3A_31 = tpu.memref_slice %arg10[%rem3A_14, %dma_start3A_29, %dma_start3A_30] : memref<2x25x80xi32, #tpu.memory_space<vmem>> -> memref<1x25x80xi32, #tpu.memory_space<vmem>>
      %dma_start3A_32 = tpu.memref_squeeze %dma_start3A_31 : memref<1x25x80xi32, #tpu.memory_space<vmem>> -> memref<25x80xi32, #tpu.memory_space<vmem>>
      %dma_start3A_33 = arith.constant 0 : i32
      %dma_start3A_34 = tpu.memref_slice %dma_start3A_32[%dma_start3A, %dma_start3A_33] : memref<25x80xi32, #tpu.memory_space<vmem>> -> memref<1x80xi32, #tpu.memory_space<vmem>>
      %dma_start3A_35 = tpu.memref_squeeze %dma_start3A_34 : memref<1x80xi32, #tpu.memory_space<vmem>> -> memref<80xi32, #tpu.memory_space<vmem>>
      %dma_start3A_36 = arith.constant 0 : i32
      %dma_start3A_37 = arith.constant 0 : i32
      %dma_start3A_38 = tpu.memref_slice %arg2[%dma_start3A_36, %dma_start3A_37] : memref<10000x128xf32, #tpu.memory_space<hbm>> -> memref<10000x128xf32, #tpu.memory_space<hbm>>
      %dma_start3A_39 = tpu.memref_slice %arg13[%dma_start3A_24] : memref<3x!tpu.dma_semaphore, #tpu.memory_space<semaphore_mem>> -> memref<1x!tpu.dma_semaphore, #tpu.memory_space<semaphore_mem>>
      %dma_start3A_40 = tpu.memref_squeeze %dma_start3A_39 : memref<1x!tpu.dma_semaphore, #tpu.memory_space<semaphore_mem>> -> memref<!tpu.dma_semaphore, #tpu.memory_space<semaphore_mem>>
      tpu.enqueue_indirect_dma source(%dma_start3A_38 : memref<10000x128xf32, #tpu.memory_space<hbm>>) target(%dma_start3A_28 : memref<80x128xf32, #tpu.memory_space<vmem>>) offsets(%dma_start3A_35 : memref<80xi32, #tpu.memory_space<vmem>>) semaphore(%dma_start3A_40 : memref<!tpu.dma_semaphore, #tpu.memory_space<semaphore_mem>>)
      %dma_start3A_41 = arith.constant 1 : i32
      %dma_start3A_42 = arith.constant 1 : i32
      %dma_start3A_43 = arith.constant 1 : i32
      %dma_start3A_44 = arith.constant 0 : i32
      %dma_start3A_45 = arith.constant 0 : i32
      %dma_start3A_46 = tpu.memref_slice %arg11[%dma_start3A_42, %dma_start3A_44, %dma_start3A_45] : memref<3x80x128xf32, #tpu.memory_space<vmem>> -> memref<1x80x128xf32, #tpu.memory_space<vmem>>
      %dma_start3A_47 = tpu.memref_squeeze %dma_start3A_46 : memref<1x80x128xf32, #tpu.memory_space<vmem>> -> memref<80x128xf32, #tpu.memory_space<vmem>>
      %dma_start3A_48 = arith.constant 0 : i32
      %dma_start3A_49 = arith.constant 0 : i32
      %dma_start3A_50 = tpu.memref_slice %arg10[%rem3A_14, %dma_start3A_48, %dma_start3A_49] : memref<2x25x80xi32, #tpu.memory_space<vmem>> -> memref<1x25x80xi32, #tpu.memory_space<vmem>>
      %dma_start3A_51 = tpu.memref_squeeze %dma_start3A_50 : memref<1x25x80xi32, #tpu.memory_space<vmem>> -> memref<25x80xi32, #tpu.memory_space<vmem>>
      %dma_start3A_52 = arith.constant 0 : i32
      %dma_start3A_53 = tpu.memref_slice %dma_start3A_51[%dma_start3A_41, %dma_start3A_52] : memref<25x80xi32, #tpu.memory_space<vmem>> -> memref<1x80xi32, #tpu.memory_space<vmem>>
      %dma_start3A_54 = tpu.memref_squeeze %dma_start3A_53 : memref<1x80xi32, #tpu.memory_space<vmem>> -> memref<80xi32, #tpu.memory_space<vmem>>
      %dma_start3A_55 = arith.constant 0 : i32
      %dma_start3A_56 = arith.constant 0 : i32
      %dma_start3A_57 = tpu.memref_slice %arg2[%dma_start3A_55, %dma_start3A_56] : memref<10000x128xf32, #tpu.memory_space<hbm>> -> memref<10000x128xf32, #tpu.memory_space<hbm>>
      %dma_start3A_58 = tpu.memref_slice %arg13[%dma_start3A_43] : memref<3x!tpu.dma_semaphore, #tpu.memory_space<semaphore_mem>> -> memref<1x!tpu.dma_semaphore, #tpu.memory_space<semaphore_mem>>
      %dma_start3A_59 = tpu.memref_squeeze %dma_start3A_58 : memref<1x!tpu.dma_semaphore, #tpu.memory_space<semaphore_mem>> -> memref<!tpu.dma_semaphore, #tpu.memory_space<semaphore_mem>>
      tpu.enqueue_indirect_dma source(%dma_start3A_57 : memref<10000x128xf32, #tpu.memory_space<hbm>>) target(%dma_start3A_47 : memref<80x128xf32, #tpu.memory_space<vmem>>) offsets(%dma_start3A_54 : memref<80xi32, #tpu.memory_space<vmem>>) semaphore(%dma_start3A_59 : memref<!tpu.dma_semaphore, #tpu.memory_space<semaphore_mem>>)
      %scan3A_60 = arith.constant 0 : i32
      %scan3A_61 = arith.constant 0 : i32
      %scan3A_62 = arith.constant 25 : i32
      %scan3A_63 = arith.addi %scan3A_61, %scan3A_62 : i32
      %scan3A_64 = arith.constant 1 : i32
      scf.for %scan3A_91 = %scan3A_61 to %scan3A_63 step %scan3A_64  : i32 {
        %rem3A_92 = arith.constant 3 : i32
        %rem3A_93 = arith.remsi %scan3A_91, %rem3A_92 : i32
        %add3A_94 = arith.constant 2 : i32
        %add3A_95 = arith.addi %scan3A_91, %add3A_94 : i32
        %rem3A_96 = arith.constant 3 : i32
        %rem3A_97 = arith.remsi %add3A_95, %rem3A_96 : i32
        %ge3A = arith.constant 1 : i32
        %ge3A_98 = arith.cmpi sge, %scan3A_91, %ge3A : i32
        %convert_element_type3A_99 = arith.extui %ge3A_98 : i1 to i32
        %cond3A_100 = arith.constant 0 : i32
        %cond3A_101 = arith.cmpi ne, %convert_element_type3A_99, %cond3A_100 : i32
        scf.if %cond3A_101 {
          %sub3A = arith.constant 1 : i32
          %sub3A_175 = arith.subi %scan3A_91, %sub3A : i32
          %dma_wait3A_176 = arith.constant 0 : i32
          %dma_wait3A_177 = arith.constant 0 : i32
          %dma_wait3A_178 = tpu.memref_slice %arg11[%rem3A_97, %dma_wait3A_176, %dma_wait3A_177] : memref<3x80x128xf32, #tpu.memory_space<vmem>> -> memref<1x80x128xf32, #tpu.memory_space<vmem>>
          %dma_wait3A_179 = tpu.memref_squeeze %dma_wait3A_178 : memref<1x80x128xf32, #tpu.memory_space<vmem>> -> memref<80x128xf32, #tpu.memory_space<vmem>>
          %dma_wait3A_180 = arith.constant 0 : i32
          %dma_wait3A_181 = arith.constant 0 : i32
          %dma_wait3A_182 = tpu.memref_slice %arg9[%rem3A_14, %dma_wait3A_180, %dma_wait3A_181] : memref<2x25x80xi32, #tpu.memory_space<vmem>> -> memref<1x25x80xi32, #tpu.memory_space<vmem>>
          %dma_wait3A_183 = tpu.memref_squeeze %dma_wait3A_182 : memref<1x25x80xi32, #tpu.memory_space<vmem>> -> memref<25x80xi32, #tpu.memory_space<vmem>>
          %dma_wait3A_184 = arith.constant 0 : i32
          %dma_wait3A_185 = tpu.memref_slice %dma_wait3A_183[%sub3A_175, %dma_wait3A_184] : memref<25x80xi32, #tpu.memory_space<vmem>> -> memref<1x80xi32, #tpu.memory_space<vmem>>
          %dma_wait3A_186 = tpu.memref_squeeze %dma_wait3A_185 : memref<1x80xi32, #tpu.memory_space<vmem>> -> memref<80xi32, #tpu.memory_space<vmem>>
          %dma_wait3A_187 = arith.constant 0 : i32
          %dma_wait3A_188 = arith.constant 0 : i32
          %dma_wait3A_189 = tpu.memref_slice %arg12[%dma_wait3A_187, %dma_wait3A_188] : memref<10016x128xf32, #tpu.memory_space<vmem_shared>> -> memref<10016x128xf32, #tpu.memory_space<vmem_shared>>
          %dma_wait3A_190 = tpu.memref_slice %arg14[%rem3A_97] : memref<3x!tpu.dma_semaphore, #tpu.memory_space<semaphore_mem>> -> memref<1x!tpu.dma_semaphore, #tpu.memory_space<semaphore_mem>>
          %dma_wait3A_191 = tpu.memref_squeeze %dma_wait3A_190 : memref<1x!tpu.dma_semaphore, #tpu.memory_space<semaphore_mem>> -> memref<!tpu.dma_semaphore, #tpu.memory_space<semaphore_mem>>
          tpu.wait_indirect_dma semaphore(%dma_wait3A_191 : memref<!tpu.dma_semaphore, #tpu.memory_space<semaphore_mem>>) src(%dma_wait3A_179 : memref<80x128xf32, #tpu.memory_space<vmem>>) dst(%dma_wait3A_189 : memref<10016x128xf32, #tpu.memory_space<vmem_shared>>)
        } else {
        }
        %add3A_102 = arith.constant 2 : i32
        %add3A_103 = arith.addi %scan3A_91, %add3A_102 : i32
        %lt3A_104 = arith.constant 25 : i32
        %lt3A_105 = arith.cmpi slt, %add3A_103, %lt3A_104 : i32
        %convert_element_type3A_106 = arith.extui %lt3A_105 : i1 to i32
        %cond3A_107 = arith.constant 0 : i32
        %cond3A_108 = arith.cmpi ne, %convert_element_type3A_106, %cond3A_107 : i32
        scf.if %cond3A_108 {
          %add3A_175 = arith.constant 2 : i32
          %add3A_176 = arith.addi %scan3A_91, %add3A_175 : i32
          %dma_start3A_177 = arith.constant 0 : i32
          %dma_start3A_178 = arith.constant 0 : i32
          %dma_start3A_179 = tpu.memref_slice %arg11[%rem3A_97, %dma_start3A_177, %dma_start3A_178] : memref<3x80x128xf32, #tpu.memory_space<vmem>> -> memref<1x80x128xf32, #tpu.memory_space<vmem>>
          %dma_start3A_180 = tpu.memref_squeeze %dma_start3A_179 : memref<1x80x128xf32, #tpu.memory_space<vmem>> -> memref<80x128xf32, #tpu.memory_space<vmem>>
          %dma_start3A_181 = arith.constant 0 : i32
          %dma_start3A_182 = arith.constant 0 : i32
          %dma_start3A_183 = tpu.memref_slice %arg10[%rem3A_14, %dma_start3A_181, %dma_start3A_182] : memref<2x25x80xi32, #tpu.memory_space<vmem>> -> memref<1x25x80xi32, #tpu.memory_space<vmem>>
          %dma_start3A_184 = tpu.memref_squeeze %dma_start3A_183 : memref<1x25x80xi32, #tpu.memory_space<vmem>> -> memref<25x80xi32, #tpu.memory_space<vmem>>
          %dma_start3A_185 = arith.constant 0 : i32
          %dma_start3A_186 = tpu.memref_slice %dma_start3A_184[%add3A_176, %dma_start3A_185] : memref<25x80xi32, #tpu.memory_space<vmem>> -> memref<1x80xi32, #tpu.memory_space<vmem>>
          %dma_start3A_187 = tpu.memref_squeeze %dma_start3A_186 : memref<1x80xi32, #tpu.memory_space<vmem>> -> memref<80xi32, #tpu.memory_space<vmem>>
          %dma_start3A_188 = arith.constant 0 : i32
          %dma_start3A_189 = arith.constant 0 : i32
          %dma_start3A_190 = tpu.memref_slice %arg2[%dma_start3A_188, %dma_start3A_189] : memref<10000x128xf32, #tpu.memory_space<hbm>> -> memref<10000x128xf32, #tpu.memory_space<hbm>>
          %dma_start3A_191 = tpu.memref_slice %arg13[%rem3A_97] : memref<3x!tpu.dma_semaphore, #tpu.memory_space<semaphore_mem>> -> memref<1x!tpu.dma_semaphore, #tpu.memory_space<semaphore_mem>>
          %dma_start3A_192 = tpu.memref_squeeze %dma_start3A_191 : memref<1x!tpu.dma_semaphore, #tpu.memory_space<semaphore_mem>> -> memref<!tpu.dma_semaphore, #tpu.memory_space<semaphore_mem>>
          tpu.enqueue_indirect_dma source(%dma_start3A_190 : memref<10000x128xf32, #tpu.memory_space<hbm>>) target(%dma_start3A_180 : memref<80x128xf32, #tpu.memory_space<vmem>>) offsets(%dma_start3A_187 : memref<80xi32, #tpu.memory_space<vmem>>) semaphore(%dma_start3A_192 : memref<!tpu.dma_semaphore, #tpu.memory_space<semaphore_mem>>)
        } else {
        }
        %get3A = arith.constant 0 : i32
        %get3A_109 = arith.constant 0 : i32
        %get3A_110 = tpu.memref_slice %arg9[%rem3A_14, %get3A, %get3A_109] : memref<2x25x80xi32, #tpu.memory_space<vmem>> -> memref<1x25x80xi32, #tpu.memory_space<vmem>>
        %get3A_111 = tpu.memref_squeeze %get3A_110 : memref<1x25x80xi32, #tpu.memory_space<vmem>> -> memref<25x80xi32, #tpu.memory_space<vmem>>
        %get3A_112 = arith.index_cast %scan3A_91 : i32 to index
        %get3A_113 = arith.constant 0 : index
        %get3A_114 = tpu.vector_load %get3A_111[%get3A_112, %get3A_113] {strides = array<i32>} : memref<25x80xi32, #tpu.memory_space<vmem>>, vector<16xi32>,
        tpu.vector_store_idx %arg16[%get3A_114], %broadcast_in_dim3A_3 {add = true} : memref<10016xf32, #tpu.memory_space<vmem>>[vector<16xi32>], vector<16xf32>,
        %get3A_115 = arith.constant 0 : i32
        %get3A_116 = arith.constant 0 : i32
        %get3A_117 = tpu.memref_slice %arg9[%rem3A_14, %get3A_115, %get3A_116] : memref<2x25x80xi32, #tpu.memory_space<vmem>> -> memref<1x25x80xi32, #tpu.memory_space<vmem>>
        %get3A_118 = tpu.memref_squeeze %get3A_117 : memref<1x25x80xi32, #tpu.memory_space<vmem>> -> memref<25x80xi32, #tpu.memory_space<vmem>>
        %get3A_119 = arith.index_cast %scan3A_91 : i32 to index
        %get3A_120 = arith.constant 16 : index
        %get3A_121 = tpu.vector_load %get3A_118[%get3A_119, %get3A_120] {strides = array<i32>} : memref<25x80xi32, #tpu.memory_space<vmem>>, vector<16xi32>,
        tpu.vector_store_idx %arg16[%get3A_121], %broadcast_in_dim3A_3 {add = true} : memref<10016xf32, #tpu.memory_space<vmem>>[vector<16xi32>], vector<16xf32>,
        %get3A_122 = arith.constant 0 : i32
        %get3A_123 = arith.constant 0 : i32
        %get3A_124 = tpu.memref_slice %arg9[%rem3A_14, %get3A_122, %get3A_123] : memref<2x25x80xi32, #tpu.memory_space<vmem>> -> memref<1x25x80xi32, #tpu.memory_space<vmem>>
        %get3A_125 = tpu.memref_squeeze %get3A_124 : memref<1x25x80xi32, #tpu.memory_space<vmem>> -> memref<25x80xi32, #tpu.memory_space<vmem>>
        %get3A_126 = arith.index_cast %scan3A_91 : i32 to index
        %get3A_127 = arith.constant 32 : index
        %get3A_128 = tpu.vector_load %get3A_125[%get3A_126, %get3A_127] {strides = array<i32>} : memref<25x80xi32, #tpu.memory_space<vmem>>, vector<16xi32>,
        tpu.vector_store_idx %arg16[%get3A_128], %broadcast_in_dim3A_3 {add = true} : memref<10016xf32, #tpu.memory_space<vmem>>[vector<16xi32>], vector<16xf32>,
        %get3A_129 = arith.constant 0 : i32
        %get3A_130 = arith.constant 0 : i32
        %get3A_131 = tpu.memref_slice %arg9[%rem3A_14, %get3A_129, %get3A_130] : memref<2x25x80xi32, #tpu.memory_space<vmem>> -> memref<1x25x80xi32, #tpu.memory_space<vmem>>
        %get3A_132 = tpu.memref_squeeze %get3A_131 : memref<1x25x80xi32, #tpu.memory_space<vmem>> -> memref<25x80xi32, #tpu.memory_space<vmem>>
        %get3A_133 = arith.index_cast %scan3A_91 : i32 to index
        %get3A_134 = arith.constant 48 : index
        %get3A_135 = tpu.vector_load %get3A_132[%get3A_133, %get3A_134] {strides = array<i32>} : memref<25x80xi32, #tpu.memory_space<vmem>>, vector<16xi32>,
        tpu.vector_store_idx %arg16[%get3A_135], %broadcast_in_dim3A_3 {add = true} : memref<10016xf32, #tpu.memory_space<vmem>>[vector<16xi32>], vector<16xf32>,
        %get3A_136 = arith.constant 0 : i32
        %get3A_137 = arith.constant 0 : i32
        %get3A_138 = tpu.memref_slice %arg9[%rem3A_14, %get3A_136, %get3A_137] : memref<2x25x80xi32, #tpu.memory_space<vmem>> -> memref<1x25x80xi32, #tpu.memory_space<vmem>>
        %get3A_139 = tpu.memref_squeeze %get3A_138 : memref<1x25x80xi32, #tpu.memory_space<vmem>> -> memref<25x80xi32, #tpu.memory_space<vmem>>
        %get3A_140 = arith.index_cast %scan3A_91 : i32 to index
        %get3A_141 = arith.constant 64 : index
        %get3A_142 = tpu.vector_load %get3A_139[%get3A_140, %get3A_141] {strides = array<i32>} : memref<25x80xi32, #tpu.memory_space<vmem>>, vector<16xi32>,
        tpu.vector_store_idx %arg16[%get3A_142], %broadcast_in_dim3A_3 {add = true} : memref<10016xf32, #tpu.memory_space<vmem>>[vector<16xi32>], vector<16xf32>,
        %dma_wait3A_143 = arith.constant 0 : i32
        %dma_wait3A_144 = arith.constant 0 : i32
        %dma_wait3A_145 = tpu.memref_slice %arg11[%rem3A_93, %dma_wait3A_143, %dma_wait3A_144] : memref<3x80x128xf32, #tpu.memory_space<vmem>> -> memref<1x80x128xf32, #tpu.memory_space<vmem>>
        %dma_wait3A_146 = tpu.memref_squeeze %dma_wait3A_145 : memref<1x80x128xf32, #tpu.memory_space<vmem>> -> memref<80x128xf32, #tpu.memory_space<vmem>>
        %dma_wait3A_147 = arith.constant 0 : i32
        %dma_wait3A_148 = arith.constant 0 : i32
        %dma_wait3A_149 = tpu.memref_slice %arg10[%rem3A_14, %dma_wait3A_147, %dma_wait3A_148] : memref<2x25x80xi32, #tpu.memory_space<vmem>> -> memref<1x25x80xi32, #tpu.memory_space<vmem>>
        %dma_wait3A_150 = tpu.memref_squeeze %dma_wait3A_149 : memref<1x25x80xi32, #tpu.memory_space<vmem>> -> memref<25x80xi32, #tpu.memory_space<vmem>>
        %dma_wait3A_151 = arith.constant 0 : i32
        %dma_wait3A_152 = tpu.memref_slice %dma_wait3A_150[%scan3A_91, %dma_wait3A_151] : memref<25x80xi32, #tpu.memory_space<vmem>> -> memref<1x80xi32, #tpu.memory_space<vmem>>
        %dma_wait3A_153 = tpu.memref_squeeze %dma_wait3A_152 : memref<1x80xi32, #tpu.memory_space<vmem>> -> memref<80xi32, #tpu.memory_space<vmem>>
        %dma_wait3A_154 = arith.constant 0 : i32
        %dma_wait3A_155 = arith.constant 0 : i32
        %dma_wait3A_156 = tpu.memref_slice %arg2[%dma_wait3A_154, %dma_wait3A_155] : memref<10000x128xf32, #tpu.memory_space<hbm>> -> memref<10000x128xf32, #tpu.memory_space<hbm>>
        %dma_wait3A_157 = tpu.memref_slice %arg13[%rem3A_93] : memref<3x!tpu.dma_semaphore, #tpu.memory_space<semaphore_mem>> -> memref<1x!tpu.dma_semaphore, #tpu.memory_space<semaphore_mem>>
        %dma_wait3A_158 = tpu.memref_squeeze %dma_wait3A_157 : memref<1x!tpu.dma_semaphore, #tpu.memory_space<semaphore_mem>> -> memref<!tpu.dma_semaphore, #tpu.memory_space<semaphore_mem>>
        tpu.wait_indirect_dma semaphore(%dma_wait3A_158 : memref<!tpu.dma_semaphore, #tpu.memory_space<semaphore_mem>>) src(%dma_wait3A_156 : memref<10000x128xf32, #tpu.memory_space<hbm>>) dst(%dma_wait3A_146 : memref<80x128xf32, #tpu.memory_space<vmem>>)
        %dma_start3A_159 = arith.constant 0 : i32
        %dma_start3A_160 = arith.constant 0 : i32
        %dma_start3A_161 = tpu.memref_slice %arg11[%rem3A_93, %dma_start3A_159, %dma_start3A_160] : memref<3x80x128xf32, #tpu.memory_space<vmem>> -> memref<1x80x128xf32, #tpu.memory_space<vmem>>
        %dma_start3A_162 = tpu.memref_squeeze %dma_start3A_161 : memref<1x80x128xf32, #tpu.memory_space<vmem>> -> memref<80x128xf32, #tpu.memory_space<vmem>>
        %dma_start3A_163 = arith.constant 0 : i32
        %dma_start3A_164 = arith.constant 0 : i32
        %dma_start3A_165 = tpu.memref_slice %arg9[%rem3A_14, %dma_start3A_163, %dma_start3A_164] : memref<2x25x80xi32, #tpu.memory_space<vmem>> -> memref<1x25x80xi32, #tpu.memory_space<vmem>>
        %dma_start3A_166 = tpu.memref_squeeze %dma_start3A_165 : memref<1x25x80xi32, #tpu.memory_space<vmem>> -> memref<25x80xi32, #tpu.memory_space<vmem>>
        %dma_start3A_167 = arith.constant 0 : i32
        %dma_start3A_168 = tpu.memref_slice %dma_start3A_166[%scan3A_91, %dma_start3A_167] : memref<25x80xi32, #tpu.memory_space<vmem>> -> memref<1x80xi32, #tpu.memory_space<vmem>>
        %dma_start3A_169 = tpu.memref_squeeze %dma_start3A_168 : memref<1x80xi32, #tpu.memory_space<vmem>> -> memref<80xi32, #tpu.memory_space<vmem>>
        %dma_start3A_170 = arith.constant 0 : i32
        %dma_start3A_171 = arith.constant 0 : i32
        %dma_start3A_172 = tpu.memref_slice %arg12[%dma_start3A_170, %dma_start3A_171] : memref<10016x128xf32, #tpu.memory_space<vmem_shared>> -> memref<10016x128xf32, #tpu.memory_space<vmem_shared>>
        %dma_start3A_173 = tpu.memref_slice %arg14[%rem3A_93] : memref<3x!tpu.dma_semaphore, #tpu.memory_space<semaphore_mem>> -> memref<1x!tpu.dma_semaphore, #tpu.memory_space<semaphore_mem>>
        %dma_start3A_174 = tpu.memref_squeeze %dma_start3A_173 : memref<1x!tpu.dma_semaphore, #tpu.memory_space<semaphore_mem>> -> memref<!tpu.dma_semaphore, #tpu.memory_space<semaphore_mem>>
        tpu.enqueue_indirect_dma source(%dma_start3A_162 : memref<80x128xf32, #tpu.memory_space<vmem>>) target(%dma_start3A_172 : memref<10016x128xf32, #tpu.memory_space<vmem_shared>>) offsets(%dma_start3A_169 : memref<80xi32, #tpu.memory_space<vmem>>) semaphore(%dma_start3A_174 : memref<!tpu.dma_semaphore, #tpu.memory_space<semaphore_mem>>) {add = true}
      }
      %scan3A_65 = arith.constant 25 : i32
      %dma_wait3A = arith.constant 0 : i32
      %dma_wait3A_66 = arith.constant 24 : i32
      %dma_wait3A_67 = arith.constant 0 : i32
      %dma_wait3A_68 = arith.constant 0 : i32
      %dma_wait3A_69 = arith.constant 0 : i32
      %dma_wait3A_70 = tpu.memref_slice %arg11[%dma_wait3A, %dma_wait3A_68, %dma_wait3A_69] : memref<3x80x128xf32, #tpu.memory_space<vmem>> -> memref<1x80x128xf32, #tpu.memory_space<vmem>>
      %dma_wait3A_71 = tpu.memref_squeeze %dma_wait3A_70 : memref<1x80x128xf32, #tpu.memory_space<vmem>> -> memref<80x128xf32, #tpu.memory_space<vmem>>
      %dma_wait3A_72 = arith.constant 0 : i32
      %dma_wait3A_73 = arith.constant 0 : i32
      %dma_wait3A_74 = tpu.memref_slice %arg9[%rem3A_14, %dma_wait3A_72, %dma_wait3A_73] : memref<2x25x80xi32, #tpu.memory_space<vmem>> -> memref<1x25x80xi32, #tpu.memory_space<vmem>>
      %dma_wait3A_75 = tpu.memref_squeeze %dma_wait3A_74 : memref<1x25x80xi32, #tpu.memory_space<vmem>> -> memref<25x80xi32, #tpu.memory_space<vmem>>
      %dma_wait3A_76 = arith.constant 0 : i32
      %dma_wait3A_77 = tpu.memref_slice %dma_wait3A_75[%dma_wait3A_66, %dma_wait3A_76] : memref<25x80xi32, #tpu.memory_space<vmem>> -> memref<1x80xi32, #tpu.memory_space<vmem>>
      %dma_wait3A_78 = tpu.memref_squeeze %dma_wait3A_77 : memref<1x80xi32, #tpu.memory_space<vmem>> -> memref<80xi32, #tpu.memory_space<vmem>>
      %dma_wait3A_79 = arith.constant 0 : i32
      %dma_wait3A_80 = arith.constant 0 : i32
      %dma_wait3A_81 = tpu.memref_slice %arg12[%dma_wait3A_79, %dma_wait3A_80] : memref<10016x128xf32, #tpu.memory_space<vmem_shared>> -> memref<10016x128xf32, #tpu.memory_space<vmem_shared>>
      %dma_wait3A_82 = tpu.memref_slice %arg14[%dma_wait3A_67] : memref<3x!tpu.dma_semaphore, #tpu.memory_space<semaphore_mem>> -> memref<1x!tpu.dma_semaphore, #tpu.memory_space<semaphore_mem>>
      %dma_wait3A_83 = tpu.memref_squeeze %dma_wait3A_82 : memref<1x!tpu.dma_semaphore, #tpu.memory_space<semaphore_mem>> -> memref<!tpu.dma_semaphore, #tpu.memory_space<semaphore_mem>>
      tpu.wait_indirect_dma semaphore(%dma_wait3A_83 : memref<!tpu.dma_semaphore, #tpu.memory_space<semaphore_mem>>) src(%dma_wait3A_71 : memref<80x128xf32, #tpu.memory_space<vmem>>) dst(%dma_wait3A_81 : memref<10016x128xf32, #tpu.memory_space<vmem_shared>>)
      %add3A_84 = arith.constant 1 : i32
      %add3A_85 = arith.addi %scan3A_13, %add3A_84 : i32
      %lt3A_86 = arith.constant 5 : i32
      %lt3A_87 = arith.cmpi slt, %add3A_85, %lt3A_86 : i32
      %convert_element_type3A_88 = arith.extui %lt3A_87 : i1 to i32
      %cond3A_89 = arith.constant 0 : i32
      %cond3A_90 = arith.cmpi ne, %convert_element_type3A_88, %cond3A_89 : i32
      scf.if %cond3A_90 {
        %add3A_91 = arith.constant 1 : i32
        %add3A_92 = arith.addi %scan3A_13, %add3A_91 : i32
        %dma_wait3A_93 = arith.constant 0 : i32
        %dma_wait3A_94 = arith.constant 0 : i32
        %dma_wait3A_95 = arith.constant 0 : i32
        %dma_wait3A_96 = tpu.memref_slice %arg9[%rem3A_18, %dma_wait3A_94, %dma_wait3A_95] : memref<2x25x80xi32, #tpu.memory_space<vmem>> -> memref<1x25x80xi32, #tpu.memory_space<vmem>>
        %dma_wait3A_97 = tpu.memref_squeeze %dma_wait3A_96 : memref<1x25x80xi32, #tpu.memory_space<vmem>> -> memref<25x80xi32, #tpu.memory_space<vmem>>
        %dma_wait3A_98 = arith.constant 0 : i32
        %dma_wait3A_99 = arith.constant 0 : i32
        %dma_wait3A_100 = tpu.memref_slice %arg3[%add3A, %add3A_92, %dma_wait3A_98, %dma_wait3A_99] : memref<32x5x25x80xi32, #tpu.memory_space<hbm>> -> memref<1x1x25x80xi32, #tpu.memory_space<hbm>>
        %dma_wait3A_101 = tpu.memref_squeeze %dma_wait3A_100 : memref<1x1x25x80xi32, #tpu.memory_space<hbm>> -> memref<25x80xi32, #tpu.memory_space<hbm>>
        %dma_wait3A_102 = tpu.memref_slice %arg15[%dma_wait3A_93] : memref<2x!tpu.dma_semaphore, #tpu.memory_space<semaphore_mem>> -> memref<1x!tpu.dma_semaphore, #tpu.memory_space<semaphore_mem>>
        %dma_wait3A_103 = tpu.memref_squeeze %dma_wait3A_102 : memref<1x!tpu.dma_semaphore, #tpu.memory_space<semaphore_mem>> -> memref<!tpu.dma_semaphore, #tpu.memory_space<semaphore_mem>>
        %dma_wait3A_104 = arith.constant 0 : i32
        %dma_wait3A_105 = arith.constant 0 : i32
        %dma_wait3A_106 = tpu.memref_slice %arg9[%rem3A_18, %dma_wait3A_104, %dma_wait3A_105] : memref<2x25x80xi32, #tpu.memory_space<vmem>> -> memref<1x25x80xi32, #tpu.memory_space<vmem>>
        %dma_wait3A_107 = tpu.memref_squeeze %dma_wait3A_106 : memref<1x25x80xi32, #tpu.memory_space<vmem>> -> memref<25x80xi32, #tpu.memory_space<vmem>>
        %dma_wait3A_108 = arith.constant 0 : i32
        %dma_wait3A_109 = arith.constant 0 : i32
        %dma_wait3A_110 = tpu.memref_slice %arg3[%add3A, %add3A_92, %dma_wait3A_108, %dma_wait3A_109] : memref<32x5x25x80xi32, #tpu.memory_space<hbm>> -> memref<1x1x25x80xi32, #tpu.memory_space<hbm>>
        %dma_wait3A_111 = tpu.memref_squeeze %dma_wait3A_110 : memref<1x1x25x80xi32, #tpu.memory_space<hbm>> -> memref<25x80xi32, #tpu.memory_space<hbm>>
        tpu.wait_dma2 semaphore(%dma_wait3A_103 : memref<!tpu.dma_semaphore, #tpu.memory_space<semaphore_mem>>) src(%dma_wait3A_111 : memref<25x80xi32, #tpu.memory_space<hbm>>) dst(%dma_wait3A_107 : memref<25x80xi32, #tpu.memory_space<vmem>>)
        %add3A_112 = arith.constant 1 : i32
        %add3A_113 = arith.addi %scan3A_13, %add3A_112 : i32
        %dma_wait3A_114 = arith.constant 1 : i32
        %dma_wait3A_115 = arith.constant 0 : i32
        %dma_wait3A_116 = arith.constant 0 : i32
        %dma_wait3A_117 = tpu.memref_slice %arg10[%rem3A_18, %dma_wait3A_115, %dma_wait3A_116] : memref<2x25x80xi32, #tpu.memory_space<vmem>> -> memref<1x25x80xi32, #tpu.memory_space<vmem>>
        %dma_wait3A_118 = tpu.memref_squeeze %dma_wait3A_117 : memref<1x25x80xi32, #tpu.memory_space<vmem>> -> memref<25x80xi32, #tpu.memory_space<vmem>>
        %dma_wait3A_119 = arith.constant 0 : i32
        %dma_wait3A_120 = arith.constant 0 : i32
        %dma_wait3A_121 = tpu.memref_slice %arg4[%add3A, %add3A_113, %dma_wait3A_119, %dma_wait3A_120] : memref<32x5x25x80xi32, #tpu.memory_space<hbm>> -> memref<1x1x25x80xi32, #tpu.memory_space<hbm>>
        %dma_wait3A_122 = tpu.memref_squeeze %dma_wait3A_121 : memref<1x1x25x80xi32, #tpu.memory_space<hbm>> -> memref<25x80xi32, #tpu.memory_space<hbm>>
        %dma_wait3A_123 = tpu.memref_slice %arg15[%dma_wait3A_114] : memref<2x!tpu.dma_semaphore, #tpu.memory_space<semaphore_mem>> -> memref<1x!tpu.dma_semaphore, #tpu.memory_space<semaphore_mem>>
        %dma_wait3A_124 = tpu.memref_squeeze %dma_wait3A_123 : memref<1x!tpu.dma_semaphore, #tpu.memory_space<semaphore_mem>> -> memref<!tpu.dma_semaphore, #tpu.memory_space<semaphore_mem>>
        %dma_wait3A_125 = arith.constant 0 : i32
        %dma_wait3A_126 = arith.constant 0 : i32
        %dma_wait3A_127 = tpu.memref_slice %arg10[%rem3A_18, %dma_wait3A_125, %dma_wait3A_126] : memref<2x25x80xi32, #tpu.memory_space<vmem>> -> memref<1x25x80xi32, #tpu.memory_space<vmem>>
        %dma_wait3A_128 = tpu.memref_squeeze %dma_wait3A_127 : memref<1x25x80xi32, #tpu.memory_space<vmem>> -> memref<25x80xi32, #tpu.memory_space<vmem>>
        %dma_wait3A_129 = arith.constant 0 : i32
        %dma_wait3A_130 = arith.constant 0 : i32
        %dma_wait3A_131 = tpu.memref_slice %arg4[%add3A, %add3A_113, %dma_wait3A_129, %dma_wait3A_130] : memref<32x5x25x80xi32, #tpu.memory_space<hbm>> -> memref<1x1x25x80xi32, #tpu.memory_space<hbm>>
        %dma_wait3A_132 = tpu.memref_squeeze %dma_wait3A_131 : memref<1x1x25x80xi32, #tpu.memory_space<hbm>> -> memref<25x80xi32, #tpu.memory_space<hbm>>
        tpu.wait_dma2 semaphore(%dma_wait3A_124 : memref<!tpu.dma_semaphore, #tpu.memory_space<semaphore_mem>>) src(%dma_wait3A_132 : memref<25x80xi32, #tpu.memory_space<hbm>>) dst(%dma_wait3A_128 : memref<25x80xi32, #tpu.memory_space<vmem>>)
      } else {
      }
    }
    %scan3A_11 = arith.constant 5 : i32
    "tpu.region"() ({
      %run_scoped3A_13 = tpu.sem_alloc : memref<!tpu.dma_semaphore, #tpu.memory_space<semaphore_mem>>
      %dma_start3A = arith.constant 0 : i32
      %dma_start3A_14 = tpu.memref_slice %arg8[%add3A, %dma_start3A] : memref<32x10016xf32, #tpu.memory_space<hbm>> -> memref<1x10016xf32, #tpu.memory_space<hbm>>
      %dma_start3A_15 = tpu.memref_squeeze %dma_start3A_14 : memref<1x10016xf32, #tpu.memory_space<hbm>> -> memref<10016xf32, #tpu.memory_space<hbm>>
      %dma_start3A_16 = arith.constant 0 : i32
      %dma_start3A_17 = tpu.memref_slice %arg8[%add3A, %dma_start3A_16] : memref<32x10016xf32, #tpu.memory_space<hbm>> -> memref<1x10016xf32, #tpu.memory_space<hbm>>
      %dma_start3A_18 = tpu.memref_squeeze %dma_start3A_17 : memref<1x10016xf32, #tpu.memory_space<hbm>> -> memref<10016xf32, #tpu.memory_space<hbm>>
      tpu.enqueue_dma source(%arg16 : memref<10016xf32, #tpu.memory_space<vmem>>) target(%dma_start3A_18 : memref<10016xf32, #tpu.memory_space<hbm>>) target_semaphore(%run_scoped3A_13 : memref<!tpu.dma_semaphore, #tpu.memory_space<semaphore_mem>>)
      %dma_wait3A = arith.constant 0 : i32
      %dma_wait3A_19 = tpu.memref_slice %arg8[%add3A, %dma_wait3A] : memref<32x10016xf32, #tpu.memory_space<hbm>> -> memref<1x10016xf32, #tpu.memory_space<hbm>>
      %dma_wait3A_20 = tpu.memref_squeeze %dma_wait3A_19 : memref<1x10016xf32, #tpu.memory_space<hbm>> -> memref<10016xf32, #tpu.memory_space<hbm>>
      %dma_wait3A_21 = arith.constant 0 : i32
      %dma_wait3A_22 = tpu.memref_slice %arg8[%add3A, %dma_wait3A_21] : memref<32x10016xf32, #tpu.memory_space<hbm>> -> memref<1x10016xf32, #tpu.memory_space<hbm>>
      %dma_wait3A_23 = tpu.memref_squeeze %dma_wait3A_22 : memref<1x10016xf32, #tpu.memory_space<hbm>> -> memref<10016xf32, #tpu.memory_space<hbm>>
      tpu.wait_dma2 semaphore(%run_scoped3A_13 : memref<!tpu.dma_semaphore, #tpu.memory_space<semaphore_mem>>) src(%arg16 : memref<10016xf32, #tpu.memory_space<vmem>>) dst(%dma_wait3A_23 : memref<10016xf32, #tpu.memory_space<hbm>>)
      tpu.yield
    }) : () -> ()
    %barrier3A_12 = arith.constant 0 : index
    tpu.barrier barrier_id(%barrier3A_12)
    "tpu.region"() ({
      %run_scoped3A_13 = tpu.sem_alloc : memref<!tpu.dma_semaphore, #tpu.memory_space<semaphore_mem>>
      %dma_start3A = arith.constant 0 : i32
      %dma_start3A_14 = arith.constant 0 : i32
      %dma_start3A_15 = tpu.memref_slice %arg7[%arg0, %arg1, %dma_start3A, %dma_start3A_14] : memref<2x16x626x128xf32, #tpu.memory_space<hbm>> -> memref<1x1x626x128xf32, #tpu.memory_space<hbm>>
      %dma_start3A_16 = tpu.memref_squeeze %dma_start3A_15 : memref<1x1x626x128xf32, #tpu.memory_space<hbm>> -> memref<626x128xf32, #tpu.memory_space<hbm>>
      %dma_start3A_17 = arith.constant 0 : i32
      %dma_start3A_18 = tpu.memref_slice %arg12[%mul3A_2, %dma_start3A_17] : memref<10016x128xf32, #tpu.memory_space<vmem_shared>> -> memref<626x128xf32, #tpu.memory_space<vmem_shared>>
      tpu.enqueue_dma source(%dma_start3A_18 : memref<626x128xf32, #tpu.memory_space<vmem_shared>>) target(%dma_start3A_16 : memref<626x128xf32, #tpu.memory_space<hbm>>) target_semaphore(%run_scoped3A_13 : memref<!tpu.dma_semaphore, #tpu.memory_space<semaphore_mem>>)
      %dma_wait3A = arith.constant 0 : i32
      %dma_wait3A_19 = arith.constant 0 : i32
      %dma_wait3A_20 = tpu.memref_slice %arg7[%arg0, %arg1, %dma_wait3A, %dma_wait3A_19] : memref<2x16x626x128xf32, #tpu.memory_space<hbm>> -> memref<1x1x626x128xf32, #tpu.memory_space<hbm>>
      %dma_wait3A_21 = tpu.memref_squeeze %dma_wait3A_20 : memref<1x1x626x128xf32, #tpu.memory_space<hbm>> -> memref<626x128xf32, #tpu.memory_space<hbm>>
      %dma_wait3A_22 = arith.constant 0 : i32
      %dma_wait3A_23 = tpu.memref_slice %arg12[%mul3A_2, %dma_wait3A_22] : memref<10016x128xf32, #tpu.memory_space<vmem_shared>> -> memref<626x128xf32, #tpu.memory_space<vmem_shared>>
      tpu.wait_dma2 semaphore(%run_scoped3A_13 : memref<!tpu.dma_semaphore, #tpu.memory_space<semaphore_mem>>) src(%dma_wait3A_23 : memref<626x128xf32, #tpu.memory_space<vmem_shared>>) dst(%dma_wait3A_21 : memref<626x128xf32, #tpu.memory_space<hbm>>)
      tpu.yield
    }) : () -> ()
    return
  }
}

#map = affine_map<(d0, d1) -> (0, 0)>
#map1 = affine_map<(d0, d1) -> (0, 0, 0, 0)>
module attributes {stable_mosaic.version = 14 : i64} {
  func.func @full_body(%arg0: i32, %arg1: i32, %arg2: memref<10000x64xf32, #tpu.memory_space<hbm>>, %arg3: memref<32x1x80x125xi32, #tpu.memory_space<hbm>>, %arg4: memref<32x1x80x125xi32, #tpu.memory_space<hbm>>, %arg5: memref<626x64xf32, #tpu.memory_space<hbm>>, %arg6: memref<2x16x626x64xf32, #tpu.memory_space<hbm>>, %arg7: memref<2x80x125xi32, #tpu.memory_space<vmem>>, %arg8: memref<2x80x125xi32, #tpu.memory_space<vmem>>, %arg9: memref<4x125x64xf32, #tpu.memory_space<vmem>>, %arg10: memref<10016x64xf32, #tpu.memory_space<vmem_shared>>, %arg11: memref<4x!tpu.dma_semaphore, #tpu.memory_space<semaphore_mem>>, %arg12: memref<4x!tpu.dma_semaphore, #tpu.memory_space<semaphore_mem>>, %arg13: memref<2x!tpu.dma_semaphore, #tpu.memory_space<semaphore_mem>>) attributes {dimension_semantics = [#tpu.dimension_semantics<core_parallel>, #tpu.dimension_semantics<subcore_parallel>], iteration_bounds = array<i64: 2, 16>, scalar_prefetch = 0 : i64, scratch_operands = 7 : i64, tpu.core_type = #tpu.core_type<sc_vector_subcore>, window_params = [{transform_indices = #map}, {transform_indices = #map1}, {transform_indices = #map1}, {transform_indices = #map}, {transform_indices = #map1}]} {
    %mul3A = arith.constant 16 : i32
    %mul3A_0 = arith.muli %arg0, %mul3A : i32
    %add3A = arith.addi %mul3A_0, %arg1 : i32
    %mul3A_1 = arith.constant 626 : i32
    %mul3A_2 = arith.muli %arg1, %mul3A_1 : i32
    "tpu.region"() ({
      %run_scoped3A_106 = tpu.sem_alloc : memref<!tpu.dma_semaphore, #tpu.memory_space<semaphore_mem>>
      %dma_start3A_107 = arith.constant 0 : i32
      %dma_start3A_108 = tpu.memref_slice %arg10[%mul3A_2, %dma_start3A_107] : memref<10016x64xf32, #tpu.memory_space<vmem_shared>> -> memref<626x64xf32, #tpu.memory_space<vmem_shared>>
      tpu.enqueue_dma source(%arg5 : memref<626x64xf32, #tpu.memory_space<hbm>>) target(%dma_start3A_108 : memref<626x64xf32, #tpu.memory_space<vmem_shared>>) target_semaphore(%run_scoped3A_106 : memref<!tpu.dma_semaphore, #tpu.memory_space<semaphore_mem>>)
      %dma_wait3A_109 = arith.constant 0 : i32
      %dma_wait3A_110 = tpu.memref_slice %arg10[%mul3A_2, %dma_wait3A_109] : memref<10016x64xf32, #tpu.memory_space<vmem_shared>> -> memref<626x64xf32, #tpu.memory_space<vmem_shared>>
      tpu.wait_dma2 semaphore(%run_scoped3A_106 : memref<!tpu.dma_semaphore, #tpu.memory_space<semaphore_mem>>) src(%arg5 : memref<626x64xf32, #tpu.memory_space<hbm>>) dst(%dma_wait3A_110 : memref<626x64xf32, #tpu.memory_space<vmem_shared>>)
      tpu.yield
    }) : () -> ()
    %barrier3A = arith.constant 0 : index
    tpu.barrier barrier_id(%barrier3A)
    %broadcast_in_dim3A = arith.constant 1.000000e+00 : f32
    %broadcast_in_dim3A_3 = vector.broadcast %broadcast_in_dim3A : f32 to vector<16xf32>
    %run_scoped3A = arith.constant 0 : i32
    %run_scoped3A_4 = arith.constant 0 : i32
    "tpu.region"() ({
      %run_scoped3A_106 = tpu.sem_alloc : memref<!tpu.dma_semaphore, #tpu.memory_space<semaphore_mem>>
      %dma_start3A_107 = arith.constant 0 : i32
      %dma_start3A_108 = arith.constant 0 : i32
      %dma_start3A_109 = tpu.memref_slice %arg7[%run_scoped3A_4, %dma_start3A_107, %dma_start3A_108] : memref<2x80x125xi32, #tpu.memory_space<vmem>> -> memref<1x80x125xi32, #tpu.memory_space<vmem>>
      %dma_start3A_110 = tpu.memref_squeeze %dma_start3A_109 : memref<1x80x125xi32, #tpu.memory_space<vmem>> -> memref<80x125xi32, #tpu.memory_space<vmem>>
      %dma_start3A_111 = arith.constant 0 : i32
      %dma_start3A_112 = arith.constant 0 : i32
      %dma_start3A_113 = tpu.memref_slice %arg3[%add3A, %run_scoped3A, %dma_start3A_111, %dma_start3A_112] : memref<32x1x80x125xi32, #tpu.memory_space<hbm>> -> memref<1x1x80x125xi32, #tpu.memory_space<hbm>>
      %dma_start3A_114 = tpu.memref_squeeze %dma_start3A_113 : memref<1x1x80x125xi32, #tpu.memory_space<hbm>> -> memref<80x125xi32, #tpu.memory_space<hbm>>
      %dma_start3A_115 = arith.constant 0 : i32
      %dma_start3A_116 = arith.constant 0 : i32
      %dma_start3A_117 = tpu.memref_slice %arg7[%run_scoped3A_4, %dma_start3A_115, %dma_start3A_116] : memref<2x80x125xi32, #tpu.memory_space<vmem>> -> memref<1x80x125xi32, #tpu.memory_space<vmem>>
      %dma_start3A_118 = tpu.memref_squeeze %dma_start3A_117 : memref<1x80x125xi32, #tpu.memory_space<vmem>> -> memref<80x125xi32, #tpu.memory_space<vmem>>
      %dma_start3A_119 = arith.constant 0 : i32
      %dma_start3A_120 = arith.constant 0 : i32
      %dma_start3A_121 = tpu.memref_slice %arg3[%add3A, %run_scoped3A, %dma_start3A_119, %dma_start3A_120] : memref<32x1x80x125xi32, #tpu.memory_space<hbm>> -> memref<1x1x80x125xi32, #tpu.memory_space<hbm>>
      %dma_start3A_122 = tpu.memref_squeeze %dma_start3A_121 : memref<1x1x80x125xi32, #tpu.memory_space<hbm>> -> memref<80x125xi32, #tpu.memory_space<hbm>>
      tpu.enqueue_dma source(%dma_start3A_122 : memref<80x125xi32, #tpu.memory_space<hbm>>) target(%dma_start3A_118 : memref<80x125xi32, #tpu.memory_space<vmem>>) target_semaphore(%run_scoped3A_106 : memref<!tpu.dma_semaphore, #tpu.memory_space<semaphore_mem>>)
      %dma_wait3A_123 = arith.constant 0 : i32
      %dma_wait3A_124 = arith.constant 0 : i32
      %dma_wait3A_125 = tpu.memref_slice %arg7[%run_scoped3A_4, %dma_wait3A_123, %dma_wait3A_124] : memref<2x80x125xi32, #tpu.memory_space<vmem>> -> memref<1x80x125xi32, #tpu.memory_space<vmem>>
      %dma_wait3A_126 = tpu.memref_squeeze %dma_wait3A_125 : memref<1x80x125xi32, #tpu.memory_space<vmem>> -> memref<80x125xi32, #tpu.memory_space<vmem>>
      %dma_wait3A_127 = arith.constant 0 : i32
      %dma_wait3A_128 = arith.constant 0 : i32
      %dma_wait3A_129 = tpu.memref_slice %arg3[%add3A, %run_scoped3A, %dma_wait3A_127, %dma_wait3A_128] : memref<32x1x80x125xi32, #tpu.memory_space<hbm>> -> memref<1x1x80x125xi32, #tpu.memory_space<hbm>>
      %dma_wait3A_130 = tpu.memref_squeeze %dma_wait3A_129 : memref<1x1x80x125xi32, #tpu.memory_space<hbm>> -> memref<80x125xi32, #tpu.memory_space<hbm>>
      %dma_wait3A_131 = arith.constant 0 : i32
      %dma_wait3A_132 = arith.constant 0 : i32
      %dma_wait3A_133 = tpu.memref_slice %arg7[%run_scoped3A_4, %dma_wait3A_131, %dma_wait3A_132] : memref<2x80x125xi32, #tpu.memory_space<vmem>> -> memref<1x80x125xi32, #tpu.memory_space<vmem>>
      %dma_wait3A_134 = tpu.memref_squeeze %dma_wait3A_133 : memref<1x80x125xi32, #tpu.memory_space<vmem>> -> memref<80x125xi32, #tpu.memory_space<vmem>>
      %dma_wait3A_135 = arith.constant 0 : i32
      %dma_wait3A_136 = arith.constant 0 : i32
      %dma_wait3A_137 = tpu.memref_slice %arg3[%add3A, %run_scoped3A, %dma_wait3A_135, %dma_wait3A_136] : memref<32x1x80x125xi32, #tpu.memory_space<hbm>> -> memref<1x1x80x125xi32, #tpu.memory_space<hbm>>
      %dma_wait3A_138 = tpu.memref_squeeze %dma_wait3A_137 : memref<1x1x80x125xi32, #tpu.memory_space<hbm>> -> memref<80x125xi32, #tpu.memory_space<hbm>>
      tpu.wait_dma2 semaphore(%run_scoped3A_106 : memref<!tpu.dma_semaphore, #tpu.memory_space<semaphore_mem>>) src(%dma_wait3A_138 : memref<80x125xi32, #tpu.memory_space<hbm>>) dst(%dma_wait3A_134 : memref<80x125xi32, #tpu.memory_space<vmem>>)
      tpu.yield
    }) : () -> ()
    %run_scoped3A_5 = arith.constant 0 : i32
    %run_scoped3A_6 = arith.constant 0 : i32
    "tpu.region"() ({
      %run_scoped3A_106 = tpu.sem_alloc : memref<!tpu.dma_semaphore, #tpu.memory_space<semaphore_mem>>
      %dma_start3A_107 = arith.constant 0 : i32
      %dma_start3A_108 = arith.constant 0 : i32
      %dma_start3A_109 = tpu.memref_slice %arg8[%run_scoped3A_6, %dma_start3A_107, %dma_start3A_108] : memref<2x80x125xi32, #tpu.memory_space<vmem>> -> memref<1x80x125xi32, #tpu.memory_space<vmem>>
      %dma_start3A_110 = tpu.memref_squeeze %dma_start3A_109 : memref<1x80x125xi32, #tpu.memory_space<vmem>> -> memref<80x125xi32, #tpu.memory_space<vmem>>
      %dma_start3A_111 = arith.constant 0 : i32
      %dma_start3A_112 = arith.constant 0 : i32
      %dma_start3A_113 = tpu.memref_slice %arg4[%add3A, %run_scoped3A_5, %dma_start3A_111, %dma_start3A_112] : memref<32x1x80x125xi32, #tpu.memory_space<hbm>> -> memref<1x1x80x125xi32, #tpu.memory_space<hbm>>
      %dma_start3A_114 = tpu.memref_squeeze %dma_start3A_113 : memref<1x1x80x125xi32, #tpu.memory_space<hbm>> -> memref<80x125xi32, #tpu.memory_space<hbm>>
      %dma_start3A_115 = arith.constant 0 : i32
      %dma_start3A_116 = arith.constant 0 : i32
      %dma_start3A_117 = tpu.memref_slice %arg8[%run_scoped3A_6, %dma_start3A_115, %dma_start3A_116] : memref<2x80x125xi32, #tpu.memory_space<vmem>> -> memref<1x80x125xi32, #tpu.memory_space<vmem>>
      %dma_start3A_118 = tpu.memref_squeeze %dma_start3A_117 : memref<1x80x125xi32, #tpu.memory_space<vmem>> -> memref<80x125xi32, #tpu.memory_space<vmem>>
      %dma_start3A_119 = arith.constant 0 : i32
      %dma_start3A_120 = arith.constant 0 : i32
      %dma_start3A_121 = tpu.memref_slice %arg4[%add3A, %run_scoped3A_5, %dma_start3A_119, %dma_start3A_120] : memref<32x1x80x125xi32, #tpu.memory_space<hbm>> -> memref<1x1x80x125xi32, #tpu.memory_space<hbm>>
      %dma_start3A_122 = tpu.memref_squeeze %dma_start3A_121 : memref<1x1x80x125xi32, #tpu.memory_space<hbm>> -> memref<80x125xi32, #tpu.memory_space<hbm>>
      tpu.enqueue_dma source(%dma_start3A_122 : memref<80x125xi32, #tpu.memory_space<hbm>>) target(%dma_start3A_118 : memref<80x125xi32, #tpu.memory_space<vmem>>) target_semaphore(%run_scoped3A_106 : memref<!tpu.dma_semaphore, #tpu.memory_space<semaphore_mem>>)
      %dma_wait3A_123 = arith.constant 0 : i32
      %dma_wait3A_124 = arith.constant 0 : i32
      %dma_wait3A_125 = tpu.memref_slice %arg8[%run_scoped3A_6, %dma_wait3A_123, %dma_wait3A_124] : memref<2x80x125xi32, #tpu.memory_space<vmem>> -> memref<1x80x125xi32, #tpu.memory_space<vmem>>
      %dma_wait3A_126 = tpu.memref_squeeze %dma_wait3A_125 : memref<1x80x125xi32, #tpu.memory_space<vmem>> -> memref<80x125xi32, #tpu.memory_space<vmem>>
      %dma_wait3A_127 = arith.constant 0 : i32
      %dma_wait3A_128 = arith.constant 0 : i32
      %dma_wait3A_129 = tpu.memref_slice %arg4[%add3A, %run_scoped3A_5, %dma_wait3A_127, %dma_wait3A_128] : memref<32x1x80x125xi32, #tpu.memory_space<hbm>> -> memref<1x1x80x125xi32, #tpu.memory_space<hbm>>
      %dma_wait3A_130 = tpu.memref_squeeze %dma_wait3A_129 : memref<1x1x80x125xi32, #tpu.memory_space<hbm>> -> memref<80x125xi32, #tpu.memory_space<hbm>>
      %dma_wait3A_131 = arith.constant 0 : i32
      %dma_wait3A_132 = arith.constant 0 : i32
      %dma_wait3A_133 = tpu.memref_slice %arg8[%run_scoped3A_6, %dma_wait3A_131, %dma_wait3A_132] : memref<2x80x125xi32, #tpu.memory_space<vmem>> -> memref<1x80x125xi32, #tpu.memory_space<vmem>>
      %dma_wait3A_134 = tpu.memref_squeeze %dma_wait3A_133 : memref<1x80x125xi32, #tpu.memory_space<vmem>> -> memref<80x125xi32, #tpu.memory_space<vmem>>
      %dma_wait3A_135 = arith.constant 0 : i32
      %dma_wait3A_136 = arith.constant 0 : i32
      %dma_wait3A_137 = tpu.memref_slice %arg4[%add3A, %run_scoped3A_5, %dma_wait3A_135, %dma_wait3A_136] : memref<32x1x80x125xi32, #tpu.memory_space<hbm>> -> memref<1x1x80x125xi32, #tpu.memory_space<hbm>>
      %dma_wait3A_138 = tpu.memref_squeeze %dma_wait3A_137 : memref<1x1x80x125xi32, #tpu.memory_space<hbm>> -> memref<80x125xi32, #tpu.memory_space<hbm>>
      tpu.wait_dma2 semaphore(%run_scoped3A_106 : memref<!tpu.dma_semaphore, #tpu.memory_space<semaphore_mem>>) src(%dma_wait3A_138 : memref<80x125xi32, #tpu.memory_space<hbm>>) dst(%dma_wait3A_134 : memref<80x125xi32, #tpu.memory_space<vmem>>)
      tpu.yield
    }) : () -> ()
    %scan3A = arith.constant 0 : i32
    %scan3A_7 = arith.constant 0 : i32
    %rem3A = arith.constant 2 : i32
    %rem3A_8 = arith.remsi %scan3A_7, %rem3A : i32
    %add3A_9 = arith.constant 1 : i32
    %add3A_10 = arith.addi %scan3A_7, %add3A_9 : i32
    %rem3A_11 = arith.constant 2 : i32
    %rem3A_12 = arith.remsi %add3A_10, %rem3A_11 : i32
    %add3A_13 = arith.constant 1 : i32
    %add3A_14 = arith.addi %scan3A_7, %add3A_13 : i32
    %lt3A = arith.constant 1 : i32
    %lt3A_15 = arith.cmpi slt, %add3A_14, %lt3A : i32
    %convert_element_type3A = arith.extui %lt3A_15 : i1 to i32
    %cond3A = arith.constant 0 : i32
    %cond3A_16 = arith.cmpi ne, %convert_element_type3A, %cond3A : i32
    scf.if %cond3A_16 {
      %add3A_106 = arith.constant 1 : i32
      %add3A_107 = arith.addi %scan3A_7, %add3A_106 : i32
      %dma_start3A_108 = arith.constant 0 : i32
      %dma_start3A_109 = arith.constant 0 : i32
      %dma_start3A_110 = arith.constant 0 : i32
      %dma_start3A_111 = tpu.memref_slice %arg7[%rem3A_12, %dma_start3A_109, %dma_start3A_110] : memref<2x80x125xi32, #tpu.memory_space<vmem>> -> memref<1x80x125xi32, #tpu.memory_space<vmem>>
      %dma_start3A_112 = tpu.memref_squeeze %dma_start3A_111 : memref<1x80x125xi32, #tpu.memory_space<vmem>> -> memref<80x125xi32, #tpu.memory_space<vmem>>
      %dma_start3A_113 = arith.constant 0 : i32
      %dma_start3A_114 = arith.constant 0 : i32
      %dma_start3A_115 = tpu.memref_slice %arg3[%add3A, %add3A_107, %dma_start3A_113, %dma_start3A_114] : memref<32x1x80x125xi32, #tpu.memory_space<hbm>> -> memref<1x1x80x125xi32, #tpu.memory_space<hbm>>
      %dma_start3A_116 = tpu.memref_squeeze %dma_start3A_115 : memref<1x1x80x125xi32, #tpu.memory_space<hbm>> -> memref<80x125xi32, #tpu.memory_space<hbm>>
      %dma_start3A_117 = tpu.memref_slice %arg13[%dma_start3A_108] : memref<2x!tpu.dma_semaphore, #tpu.memory_space<semaphore_mem>> -> memref<1x!tpu.dma_semaphore, #tpu.memory_space<semaphore_mem>>
      %dma_start3A_118 = tpu.memref_squeeze %dma_start3A_117 : memref<1x!tpu.dma_semaphore, #tpu.memory_space<semaphore_mem>> -> memref<!tpu.dma_semaphore, #tpu.memory_space<semaphore_mem>>
      %dma_start3A_119 = arith.constant 0 : i32
      %dma_start3A_120 = arith.constant 0 : i32
      %dma_start3A_121 = tpu.memref_slice %arg7[%rem3A_12, %dma_start3A_119, %dma_start3A_120] : memref<2x80x125xi32, #tpu.memory_space<vmem>> -> memref<1x80x125xi32, #tpu.memory_space<vmem>>
      %dma_start3A_122 = tpu.memref_squeeze %dma_start3A_121 : memref<1x80x125xi32, #tpu.memory_space<vmem>> -> memref<80x125xi32, #tpu.memory_space<vmem>>
      %dma_start3A_123 = arith.constant 0 : i32
      %dma_start3A_124 = arith.constant 0 : i32
      %dma_start3A_125 = tpu.memref_slice %arg3[%add3A, %add3A_107, %dma_start3A_123, %dma_start3A_124] : memref<32x1x80x125xi32, #tpu.memory_space<hbm>> -> memref<1x1x80x125xi32, #tpu.memory_space<hbm>>
      %dma_start3A_126 = tpu.memref_squeeze %dma_start3A_125 : memref<1x1x80x125xi32, #tpu.memory_space<hbm>> -> memref<80x125xi32, #tpu.memory_space<hbm>>
      tpu.enqueue_dma source(%dma_start3A_126 : memref<80x125xi32, #tpu.memory_space<hbm>>) target(%dma_start3A_122 : memref<80x125xi32, #tpu.memory_space<vmem>>) target_semaphore(%dma_start3A_118 : memref<!tpu.dma_semaphore, #tpu.memory_space<semaphore_mem>>)
      %add3A_127 = arith.constant 1 : i32
      %add3A_128 = arith.addi %scan3A_7, %add3A_127 : i32
      %dma_start3A_129 = arith.constant 1 : i32
      %dma_start3A_130 = arith.constant 0 : i32
      %dma_start3A_131 = arith.constant 0 : i32
      %dma_start3A_132 = tpu.memref_slice %arg8[%rem3A_12, %dma_start3A_130, %dma_start3A_131] : memref<2x80x125xi32, #tpu.memory_space<vmem>> -> memref<1x80x125xi32, #tpu.memory_space<vmem>>
      %dma_start3A_133 = tpu.memref_squeeze %dma_start3A_132 : memref<1x80x125xi32, #tpu.memory_space<vmem>> -> memref<80x125xi32, #tpu.memory_space<vmem>>
      %dma_start3A_134 = arith.constant 0 : i32
      %dma_start3A_135 = arith.constant 0 : i32
      %dma_start3A_136 = tpu.memref_slice %arg4[%add3A, %add3A_128, %dma_start3A_134, %dma_start3A_135] : memref<32x1x80x125xi32, #tpu.memory_space<hbm>> -> memref<1x1x80x125xi32, #tpu.memory_space<hbm>>
      %dma_start3A_137 = tpu.memref_squeeze %dma_start3A_136 : memref<1x1x80x125xi32, #tpu.memory_space<hbm>> -> memref<80x125xi32, #tpu.memory_space<hbm>>
      %dma_start3A_138 = tpu.memref_slice %arg13[%dma_start3A_129] : memref<2x!tpu.dma_semaphore, #tpu.memory_space<semaphore_mem>> -> memref<1x!tpu.dma_semaphore, #tpu.memory_space<semaphore_mem>>
      %dma_start3A_139 = tpu.memref_squeeze %dma_start3A_138 : memref<1x!tpu.dma_semaphore, #tpu.memory_space<semaphore_mem>> -> memref<!tpu.dma_semaphore, #tpu.memory_space<semaphore_mem>>
      %dma_start3A_140 = arith.constant 0 : i32
      %dma_start3A_141 = arith.constant 0 : i32
      %dma_start3A_142 = tpu.memref_slice %arg8[%rem3A_12, %dma_start3A_140, %dma_start3A_141] : memref<2x80x125xi32, #tpu.memory_space<vmem>> -> memref<1x80x125xi32, #tpu.memory_space<vmem>>
      %dma_start3A_143 = tpu.memref_squeeze %dma_start3A_142 : memref<1x80x125xi32, #tpu.memory_space<vmem>> -> memref<80x125xi32, #tpu.memory_space<vmem>>
      %dma_start3A_144 = arith.constant 0 : i32
      %dma_start3A_145 = arith.constant 0 : i32
      %dma_start3A_146 = tpu.memref_slice %arg4[%add3A, %add3A_128, %dma_start3A_144, %dma_start3A_145] : memref<32x1x80x125xi32, #tpu.memory_space<hbm>> -> memref<1x1x80x125xi32, #tpu.memory_space<hbm>>
      %dma_start3A_147 = tpu.memref_squeeze %dma_start3A_146 : memref<1x1x80x125xi32, #tpu.memory_space<hbm>> -> memref<80x125xi32, #tpu.memory_space<hbm>>
      tpu.enqueue_dma source(%dma_start3A_147 : memref<80x125xi32, #tpu.memory_space<hbm>>) target(%dma_start3A_143 : memref<80x125xi32, #tpu.memory_space<vmem>>) target_semaphore(%dma_start3A_139 : memref<!tpu.dma_semaphore, #tpu.memory_space<semaphore_mem>>)
    } else {
    }
    %dma_start3A = arith.constant 0 : i32
    %dma_start3A_17 = arith.constant 0 : i32
    %dma_start3A_18 = arith.constant 0 : i32
    %dma_start3A_19 = arith.constant 0 : i32
    %dma_start3A_20 = arith.constant 0 : i32
    %dma_start3A_21 = tpu.memref_slice %arg9[%dma_start3A_17, %dma_start3A_19, %dma_start3A_20] : memref<4x125x64xf32, #tpu.memory_space<vmem>> -> memref<1x125x64xf32, #tpu.memory_space<vmem>>
    %dma_start3A_22 = tpu.memref_squeeze %dma_start3A_21 : memref<1x125x64xf32, #tpu.memory_space<vmem>> -> memref<125x64xf32, #tpu.memory_space<vmem>>
    %dma_start3A_23 = arith.constant 0 : i32
    %dma_start3A_24 = arith.constant 0 : i32
    %dma_start3A_25 = tpu.memref_slice %arg8[%rem3A_8, %dma_start3A_23, %dma_start3A_24] : memref<2x80x125xi32, #tpu.memory_space<vmem>> -> memref<1x80x125xi32, #tpu.memory_space<vmem>>
    %dma_start3A_26 = tpu.memref_squeeze %dma_start3A_25 : memref<1x80x125xi32, #tpu.memory_space<vmem>> -> memref<80x125xi32, #tpu.memory_space<vmem>>
    %dma_start3A_27 = arith.constant 0 : i32
    %dma_start3A_28 = tpu.memref_slice %dma_start3A_26[%dma_start3A, %dma_start3A_27] : memref<80x125xi32, #tpu.memory_space<vmem>> -> memref<1x125xi32, #tpu.memory_space<vmem>>
    %dma_start3A_29 = tpu.memref_squeeze %dma_start3A_28 : memref<1x125xi32, #tpu.memory_space<vmem>> -> memref<125xi32, #tpu.memory_space<vmem>>
    %dma_start3A_30 = arith.constant 0 : i32
    %dma_start3A_31 = arith.constant 0 : i32
    %dma_start3A_32 = tpu.memref_slice %arg2[%dma_start3A_30, %dma_start3A_31] : memref<10000x64xf32, #tpu.memory_space<hbm>> -> memref<10000x64xf32, #tpu.memory_space<hbm>>
    %dma_start3A_33 = tpu.memref_slice %arg11[%dma_start3A_18] : memref<4x!tpu.dma_semaphore, #tpu.memory_space<semaphore_mem>> -> memref<1x!tpu.dma_semaphore, #tpu.memory_space<semaphore_mem>>
    %dma_start3A_34 = tpu.memref_squeeze %dma_start3A_33 : memref<1x!tpu.dma_semaphore, #tpu.memory_space<semaphore_mem>> -> memref<!tpu.dma_semaphore, #tpu.memory_space<semaphore_mem>>
    tpu.enqueue_indirect_dma source(%dma_start3A_32 : memref<10000x64xf32, #tpu.memory_space<hbm>>) target(%dma_start3A_22 : memref<125x64xf32, #tpu.memory_space<vmem>>) offsets(%dma_start3A_29 : memref<125xi32, #tpu.memory_space<vmem>>) semaphore(%dma_start3A_34 : memref<!tpu.dma_semaphore, #tpu.memory_space<semaphore_mem>>)
    %dma_start3A_35 = arith.constant 1 : i32
    %dma_start3A_36 = arith.constant 1 : i32
    %dma_start3A_37 = arith.constant 1 : i32
    %dma_start3A_38 = arith.constant 0 : i32
    %dma_start3A_39 = arith.constant 0 : i32
    %dma_start3A_40 = tpu.memref_slice %arg9[%dma_start3A_36, %dma_start3A_38, %dma_start3A_39] : memref<4x125x64xf32, #tpu.memory_space<vmem>> -> memref<1x125x64xf32, #tpu.memory_space<vmem>>
    %dma_start3A_41 = tpu.memref_squeeze %dma_start3A_40 : memref<1x125x64xf32, #tpu.memory_space<vmem>> -> memref<125x64xf32, #tpu.memory_space<vmem>>
    %dma_start3A_42 = arith.constant 0 : i32
    %dma_start3A_43 = arith.constant 0 : i32
    %dma_start3A_44 = tpu.memref_slice %arg8[%rem3A_8, %dma_start3A_42, %dma_start3A_43] : memref<2x80x125xi32, #tpu.memory_space<vmem>> -> memref<1x80x125xi32, #tpu.memory_space<vmem>>
    %dma_start3A_45 = tpu.memref_squeeze %dma_start3A_44 : memref<1x80x125xi32, #tpu.memory_space<vmem>> -> memref<80x125xi32, #tpu.memory_space<vmem>>
    %dma_start3A_46 = arith.constant 0 : i32
    %dma_start3A_47 = tpu.memref_slice %dma_start3A_45[%dma_start3A_35, %dma_start3A_46] : memref<80x125xi32, #tpu.memory_space<vmem>> -> memref<1x125xi32, #tpu.memory_space<vmem>>
    %dma_start3A_48 = tpu.memref_squeeze %dma_start3A_47 : memref<1x125xi32, #tpu.memory_space<vmem>> -> memref<125xi32, #tpu.memory_space<vmem>>
    %dma_start3A_49 = arith.constant 0 : i32
    %dma_start3A_50 = arith.constant 0 : i32
    %dma_start3A_51 = tpu.memref_slice %arg2[%dma_start3A_49, %dma_start3A_50] : memref<10000x64xf32, #tpu.memory_space<hbm>> -> memref<10000x64xf32, #tpu.memory_space<hbm>>
    %dma_start3A_52 = tpu.memref_slice %arg11[%dma_start3A_37] : memref<4x!tpu.dma_semaphore, #tpu.memory_space<semaphore_mem>> -> memref<1x!tpu.dma_semaphore, #tpu.memory_space<semaphore_mem>>
    %dma_start3A_53 = tpu.memref_squeeze %dma_start3A_52 : memref<1x!tpu.dma_semaphore, #tpu.memory_space<semaphore_mem>> -> memref<!tpu.dma_semaphore, #tpu.memory_space<semaphore_mem>>
    tpu.enqueue_indirect_dma source(%dma_start3A_51 : memref<10000x64xf32, #tpu.memory_space<hbm>>) target(%dma_start3A_41 : memref<125x64xf32, #tpu.memory_space<vmem>>) offsets(%dma_start3A_48 : memref<125xi32, #tpu.memory_space<vmem>>) semaphore(%dma_start3A_53 : memref<!tpu.dma_semaphore, #tpu.memory_space<semaphore_mem>>)
    %dma_start3A_54 = arith.constant 2 : i32
    %dma_start3A_55 = arith.constant 2 : i32
    %dma_start3A_56 = arith.constant 2 : i32
    %dma_start3A_57 = arith.constant 0 : i32
    %dma_start3A_58 = arith.constant 0 : i32
    %dma_start3A_59 = tpu.memref_slice %arg9[%dma_start3A_55, %dma_start3A_57, %dma_start3A_58] : memref<4x125x64xf32, #tpu.memory_space<vmem>> -> memref<1x125x64xf32, #tpu.memory_space<vmem>>
    %dma_start3A_60 = tpu.memref_squeeze %dma_start3A_59 : memref<1x125x64xf32, #tpu.memory_space<vmem>> -> memref<125x64xf32, #tpu.memory_space<vmem>>
    %dma_start3A_61 = arith.constant 0 : i32
    %dma_start3A_62 = arith.constant 0 : i32
    %dma_start3A_63 = tpu.memref_slice %arg8[%rem3A_8, %dma_start3A_61, %dma_start3A_62] : memref<2x80x125xi32, #tpu.memory_space<vmem>> -> memref<1x80x125xi32, #tpu.memory_space<vmem>>
    %dma_start3A_64 = tpu.memref_squeeze %dma_start3A_63 : memref<1x80x125xi32, #tpu.memory_space<vmem>> -> memref<80x125xi32, #tpu.memory_space<vmem>>
    %dma_start3A_65 = arith.constant 0 : i32
    %dma_start3A_66 = tpu.memref_slice %dma_start3A_64[%dma_start3A_54, %dma_start3A_65] : memref<80x125xi32, #tpu.memory_space<vmem>> -> memref<1x125xi32, #tpu.memory_space<vmem>>
    %dma_start3A_67 = tpu.memref_squeeze %dma_start3A_66 : memref<1x125xi32, #tpu.memory_space<vmem>> -> memref<125xi32, #tpu.memory_space<vmem>>
    %dma_start3A_68 = arith.constant 0 : i32
    %dma_start3A_69 = arith.constant 0 : i32
    %dma_start3A_70 = tpu.memref_slice %arg2[%dma_start3A_68, %dma_start3A_69] : memref<10000x64xf32, #tpu.memory_space<hbm>> -> memref<10000x64xf32, #tpu.memory_space<hbm>>
    %dma_start3A_71 = tpu.memref_slice %arg11[%dma_start3A_56] : memref<4x!tpu.dma_semaphore, #tpu.memory_space<semaphore_mem>> -> memref<1x!tpu.dma_semaphore, #tpu.memory_space<semaphore_mem>>
    %dma_start3A_72 = tpu.memref_squeeze %dma_start3A_71 : memref<1x!tpu.dma_semaphore, #tpu.memory_space<semaphore_mem>> -> memref<!tpu.dma_semaphore, #tpu.memory_space<semaphore_mem>>
    tpu.enqueue_indirect_dma source(%dma_start3A_70 : memref<10000x64xf32, #tpu.memory_space<hbm>>) target(%dma_start3A_60 : memref<125x64xf32, #tpu.memory_space<vmem>>) offsets(%dma_start3A_67 : memref<125xi32, #tpu.memory_space<vmem>>) semaphore(%dma_start3A_72 : memref<!tpu.dma_semaphore, #tpu.memory_space<semaphore_mem>>)
    %scan3A_73 = arith.constant 0 : i32
    %scan3A_74 = arith.constant 0 : i32
    %scan3A_75 = arith.constant 80 : i32
    %scan3A_76 = arith.addi %scan3A_74, %scan3A_75 : i32
    %scan3A_77 = arith.constant 1 : i32
    scf.for %scan3A_106 = %scan3A_74 to %scan3A_76 step %scan3A_77  : i32 {
      %rem3A_107 = arith.constant 4 : i32
      %rem3A_108 = arith.remsi %scan3A_106, %rem3A_107 : i32
      %add3A_109 = arith.constant 3 : i32
      %add3A_110 = arith.addi %scan3A_106, %add3A_109 : i32
      %rem3A_111 = arith.constant 4 : i32
      %rem3A_112 = arith.remsi %add3A_110, %rem3A_111 : i32
      %ge3A = arith.constant 1 : i32
      %ge3A_113 = arith.cmpi sge, %scan3A_106, %ge3A : i32
      %convert_element_type3A_114 = arith.extui %ge3A_113 : i1 to i32
      %cond3A_115 = arith.constant 0 : i32
      %cond3A_116 = arith.cmpi ne, %convert_element_type3A_114, %cond3A_115 : i32
      scf.if %cond3A_116 {
        %sub3A = arith.constant 1 : i32
        %sub3A_156 = arith.subi %scan3A_106, %sub3A : i32
        %dma_wait3A_157 = arith.constant 0 : i32
        %dma_wait3A_158 = arith.constant 0 : i32
        %dma_wait3A_159 = tpu.memref_slice %arg9[%rem3A_112, %dma_wait3A_157, %dma_wait3A_158] : memref<4x125x64xf32, #tpu.memory_space<vmem>> -> memref<1x125x64xf32, #tpu.memory_space<vmem>>
        %dma_wait3A_160 = tpu.memref_squeeze %dma_wait3A_159 : memref<1x125x64xf32, #tpu.memory_space<vmem>> -> memref<125x64xf32, #tpu.memory_space<vmem>>
        %dma_wait3A_161 = arith.constant 0 : i32
        %dma_wait3A_162 = arith.constant 0 : i32
        %dma_wait3A_163 = tpu.memref_slice %arg7[%rem3A_8, %dma_wait3A_161, %dma_wait3A_162] : memref<2x80x125xi32, #tpu.memory_space<vmem>> -> memref<1x80x125xi32, #tpu.memory_space<vmem>>
        %dma_wait3A_164 = tpu.memref_squeeze %dma_wait3A_163 : memref<1x80x125xi32, #tpu.memory_space<vmem>> -> memref<80x125xi32, #tpu.memory_space<vmem>>
        %dma_wait3A_165 = arith.constant 0 : i32
        %dma_wait3A_166 = tpu.memref_slice %dma_wait3A_164[%sub3A_156, %dma_wait3A_165] : memref<80x125xi32, #tpu.memory_space<vmem>> -> memref<1x125xi32, #tpu.memory_space<vmem>>
        %dma_wait3A_167 = tpu.memref_squeeze %dma_wait3A_166 : memref<1x125xi32, #tpu.memory_space<vmem>> -> memref<125xi32, #tpu.memory_space<vmem>>
        %dma_wait3A_168 = arith.constant 0 : i32
        %dma_wait3A_169 = arith.constant 0 : i32
        %dma_wait3A_170 = tpu.memref_slice %arg10[%dma_wait3A_168, %dma_wait3A_169] : memref<10016x64xf32, #tpu.memory_space<vmem_shared>> -> memref<10016x64xf32, #tpu.memory_space<vmem_shared>>
        %dma_wait3A_171 = tpu.memref_slice %arg12[%rem3A_112] : memref<4x!tpu.dma_semaphore, #tpu.memory_space<semaphore_mem>> -> memref<1x!tpu.dma_semaphore, #tpu.memory_space<semaphore_mem>>
        %dma_wait3A_172 = tpu.memref_squeeze %dma_wait3A_171 : memref<1x!tpu.dma_semaphore, #tpu.memory_space<semaphore_mem>> -> memref<!tpu.dma_semaphore, #tpu.memory_space<semaphore_mem>>
        tpu.wait_indirect_dma semaphore(%dma_wait3A_172 : memref<!tpu.dma_semaphore, #tpu.memory_space<semaphore_mem>>) src(%dma_wait3A_160 : memref<125x64xf32, #tpu.memory_space<vmem>>) dst(%dma_wait3A_170 : memref<10016x64xf32, #tpu.memory_space<vmem_shared>>)
      } else {
      }
      %add3A_117 = arith.constant 3 : i32
      %add3A_118 = arith.addi %scan3A_106, %add3A_117 : i32
      %lt3A_119 = arith.constant 80 : i32
      %lt3A_120 = arith.cmpi slt, %add3A_118, %lt3A_119 : i32
      %convert_element_type3A_121 = arith.extui %lt3A_120 : i1 to i32
      %cond3A_122 = arith.constant 0 : i32
      %cond3A_123 = arith.cmpi ne, %convert_element_type3A_121, %cond3A_122 : i32
      scf.if %cond3A_123 {
        %add3A_156 = arith.constant 3 : i32
        %add3A_157 = arith.addi %scan3A_106, %add3A_156 : i32
        %dma_start3A_158 = arith.constant 0 : i32
        %dma_start3A_159 = arith.constant 0 : i32
        %dma_start3A_160 = tpu.memref_slice %arg9[%rem3A_112, %dma_start3A_158, %dma_start3A_159] : memref<4x125x64xf32, #tpu.memory_space<vmem>> -> memref<1x125x64xf32, #tpu.memory_space<vmem>>
        %dma_start3A_161 = tpu.memref_squeeze %dma_start3A_160 : memref<1x125x64xf32, #tpu.memory_space<vmem>> -> memref<125x64xf32, #tpu.memory_space<vmem>>
        %dma_start3A_162 = arith.constant 0 : i32
        %dma_start3A_163 = arith.constant 0 : i32
        %dma_start3A_164 = tpu.memref_slice %arg8[%rem3A_8, %dma_start3A_162, %dma_start3A_163] : memref<2x80x125xi32, #tpu.memory_space<vmem>> -> memref<1x80x125xi32, #tpu.memory_space<vmem>>
        %dma_start3A_165 = tpu.memref_squeeze %dma_start3A_164 : memref<1x80x125xi32, #tpu.memory_space<vmem>> -> memref<80x125xi32, #tpu.memory_space<vmem>>
        %dma_start3A_166 = arith.constant 0 : i32
        %dma_start3A_167 = tpu.memref_slice %dma_start3A_165[%add3A_157, %dma_start3A_166] : memref<80x125xi32, #tpu.memory_space<vmem>> -> memref<1x125xi32, #tpu.memory_space<vmem>>
        %dma_start3A_168 = tpu.memref_squeeze %dma_start3A_167 : memref<1x125xi32, #tpu.memory_space<vmem>> -> memref<125xi32, #tpu.memory_space<vmem>>
        %dma_start3A_169 = arith.constant 0 : i32
        %dma_start3A_170 = arith.constant 0 : i32
        %dma_start3A_171 = tpu.memref_slice %arg2[%dma_start3A_169, %dma_start3A_170] : memref<10000x64xf32, #tpu.memory_space<hbm>> -> memref<10000x64xf32, #tpu.memory_space<hbm>>
        %dma_start3A_172 = tpu.memref_slice %arg11[%rem3A_112] : memref<4x!tpu.dma_semaphore, #tpu.memory_space<semaphore_mem>> -> memref<1x!tpu.dma_semaphore, #tpu.memory_space<semaphore_mem>>
        %dma_start3A_173 = tpu.memref_squeeze %dma_start3A_172 : memref<1x!tpu.dma_semaphore, #tpu.memory_space<semaphore_mem>> -> memref<!tpu.dma_semaphore, #tpu.memory_space<semaphore_mem>>
        tpu.enqueue_indirect_dma source(%dma_start3A_171 : memref<10000x64xf32, #tpu.memory_space<hbm>>) target(%dma_start3A_161 : memref<125x64xf32, #tpu.memory_space<vmem>>) offsets(%dma_start3A_168 : memref<125xi32, #tpu.memory_space<vmem>>) semaphore(%dma_start3A_173 : memref<!tpu.dma_semaphore, #tpu.memory_space<semaphore_mem>>)
      } else {
      }
      %dma_wait3A_124 = arith.constant 0 : i32
      %dma_wait3A_125 = arith.constant 0 : i32
      %dma_wait3A_126 = tpu.memref_slice %arg9[%rem3A_108, %dma_wait3A_124, %dma_wait3A_125] : memref<4x125x64xf32, #tpu.memory_space<vmem>> -> memref<1x125x64xf32, #tpu.memory_space<vmem>>
      %dma_wait3A_127 = tpu.memref_squeeze %dma_wait3A_126 : memref<1x125x64xf32, #tpu.memory_space<vmem>> -> memref<125x64xf32, #tpu.memory_space<vmem>>
      %dma_wait3A_128 = arith.constant 0 : i32
      %dma_wait3A_129 = arith.constant 0 : i32
      %dma_wait3A_130 = tpu.memref_slice %arg8[%rem3A_8, %dma_wait3A_128, %dma_wait3A_129] : memref<2x80x125xi32, #tpu.memory_space<vmem>> -> memref<1x80x125xi32, #tpu.memory_space<vmem>>
      %dma_wait3A_131 = tpu.memref_squeeze %dma_wait3A_130 : memref<1x80x125xi32, #tpu.memory_space<vmem>> -> memref<80x125xi32, #tpu.memory_space<vmem>>
      %dma_wait3A_132 = arith.constant 0 : i32
      %dma_wait3A_133 = tpu.memref_slice %dma_wait3A_131[%scan3A_106, %dma_wait3A_132] : memref<80x125xi32, #tpu.memory_space<vmem>> -> memref<1x125xi32, #tpu.memory_space<vmem>>
      %dma_wait3A_134 = tpu.memref_squeeze %dma_wait3A_133 : memref<1x125xi32, #tpu.memory_space<vmem>> -> memref<125xi32, #tpu.memory_space<vmem>>
      %dma_wait3A_135 = arith.constant 0 : i32
      %dma_wait3A_136 = arith.constant 0 : i32
      %dma_wait3A_137 = tpu.memref_slice %arg2[%dma_wait3A_135, %dma_wait3A_136] : memref<10000x64xf32, #tpu.memory_space<hbm>> -> memref<10000x64xf32, #tpu.memory_space<hbm>>
      %dma_wait3A_138 = tpu.memref_slice %arg11[%rem3A_108] : memref<4x!tpu.dma_semaphore, #tpu.memory_space<semaphore_mem>> -> memref<1x!tpu.dma_semaphore, #tpu.memory_space<semaphore_mem>>
      %dma_wait3A_139 = tpu.memref_squeeze %dma_wait3A_138 : memref<1x!tpu.dma_semaphore, #tpu.memory_space<semaphore_mem>> -> memref<!tpu.dma_semaphore, #tpu.memory_space<semaphore_mem>>
      tpu.wait_indirect_dma semaphore(%dma_wait3A_139 : memref<!tpu.dma_semaphore, #tpu.memory_space<semaphore_mem>>) src(%dma_wait3A_137 : memref<10000x64xf32, #tpu.memory_space<hbm>>) dst(%dma_wait3A_127 : memref<125x64xf32, #tpu.memory_space<vmem>>)
      %dma_start3A_140 = arith.constant 0 : i32
      %dma_start3A_141 = arith.constant 0 : i32
      %dma_start3A_142 = tpu.memref_slice %arg9[%rem3A_108, %dma_start3A_140, %dma_start3A_141] : memref<4x125x64xf32, #tpu.memory_space<vmem>> -> memref<1x125x64xf32, #tpu.memory_space<vmem>>
      %dma_start3A_143 = tpu.memref_squeeze %dma_start3A_142 : memref<1x125x64xf32, #tpu.memory_space<vmem>> -> memref<125x64xf32, #tpu.memory_space<vmem>>
      %dma_start3A_144 = arith.constant 0 : i32
      %dma_start3A_145 = arith.constant 0 : i32
      %dma_start3A_146 = tpu.memref_slice %arg7[%rem3A_8, %dma_start3A_144, %dma_start3A_145] : memref<2x80x125xi32, #tpu.memory_space<vmem>> -> memref<1x80x125xi32, #tpu.memory_space<vmem>>
      %dma_start3A_147 = tpu.memref_squeeze %dma_start3A_146 : memref<1x80x125xi32, #tpu.memory_space<vmem>> -> memref<80x125xi32, #tpu.memory_space<vmem>>
      %dma_start3A_148 = arith.constant 0 : i32
      %dma_start3A_149 = tpu.memref_slice %dma_start3A_147[%scan3A_106, %dma_start3A_148] : memref<80x125xi32, #tpu.memory_space<vmem>> -> memref<1x125xi32, #tpu.memory_space<vmem>>
      %dma_start3A_150 = tpu.memref_squeeze %dma_start3A_149 : memref<1x125xi32, #tpu.memory_space<vmem>> -> memref<125xi32, #tpu.memory_space<vmem>>
      %dma_start3A_151 = arith.constant 0 : i32
      %dma_start3A_152 = arith.constant 0 : i32
      %dma_start3A_153 = tpu.memref_slice %arg10[%dma_start3A_151, %dma_start3A_152] : memref<10016x64xf32, #tpu.memory_space<vmem_shared>> -> memref<10016x64xf32, #tpu.memory_space<vmem_shared>>
      %dma_start3A_154 = tpu.memref_slice %arg12[%rem3A_108] : memref<4x!tpu.dma_semaphore, #tpu.memory_space<semaphore_mem>> -> memref<1x!tpu.dma_semaphore, #tpu.memory_space<semaphore_mem>>
      %dma_start3A_155 = tpu.memref_squeeze %dma_start3A_154 : memref<1x!tpu.dma_semaphore, #tpu.memory_space<semaphore_mem>> -> memref<!tpu.dma_semaphore, #tpu.memory_space<semaphore_mem>>
      tpu.enqueue_indirect_dma source(%dma_start3A_143 : memref<125x64xf32, #tpu.memory_space<vmem>>) target(%dma_start3A_153 : memref<10016x64xf32, #tpu.memory_space<vmem_shared>>) offsets(%dma_start3A_150 : memref<125xi32, #tpu.memory_space<vmem>>) semaphore(%dma_start3A_155 : memref<!tpu.dma_semaphore, #tpu.memory_space<semaphore_mem>>) {add = true}
    }
    %scan3A_78 = arith.constant 80 : i32
    %dma_wait3A = arith.constant 3 : i32
    %dma_wait3A_79 = arith.constant 79 : i32
    %dma_wait3A_80 = arith.constant 3 : i32
    %dma_wait3A_81 = arith.constant 0 : i32
    %dma_wait3A_82 = arith.constant 0 : i32
    %dma_wait3A_83 = tpu.memref_slice %arg9[%dma_wait3A, %dma_wait3A_81, %dma_wait3A_82] : memref<4x125x64xf32, #tpu.memory_space<vmem>> -> memref<1x125x64xf32, #tpu.memory_space<vmem>>
    %dma_wait3A_84 = tpu.memref_squeeze %dma_wait3A_83 : memref<1x125x64xf32, #tpu.memory_space<vmem>> -> memref<125x64xf32, #tpu.memory_space<vmem>>
    %dma_wait3A_85 = arith.constant 0 : i32
    %dma_wait3A_86 = arith.constant 0 : i32
    %dma_wait3A_87 = tpu.memref_slice %arg7[%rem3A_8, %dma_wait3A_85, %dma_wait3A_86] : memref<2x80x125xi32, #tpu.memory_space<vmem>> -> memref<1x80x125xi32, #tpu.memory_space<vmem>>
    %dma_wait3A_88 = tpu.memref_squeeze %dma_wait3A_87 : memref<1x80x125xi32, #tpu.memory_space<vmem>> -> memref<80x125xi32, #tpu.memory_space<vmem>>
    %dma_wait3A_89 = arith.constant 0 : i32
    %dma_wait3A_90 = tpu.memref_slice %dma_wait3A_88[%dma_wait3A_79, %dma_wait3A_89] : memref<80x125xi32, #tpu.memory_space<vmem>> -> memref<1x125xi32, #tpu.memory_space<vmem>>
    %dma_wait3A_91 = tpu.memref_squeeze %dma_wait3A_90 : memref<1x125xi32, #tpu.memory_space<vmem>> -> memref<125xi32, #tpu.memory_space<vmem>>
    %dma_wait3A_92 = arith.constant 0 : i32
    %dma_wait3A_93 = arith.constant 0 : i32
    %dma_wait3A_94 = tpu.memref_slice %arg10[%dma_wait3A_92, %dma_wait3A_93] : memref<10016x64xf32, #tpu.memory_space<vmem_shared>> -> memref<10016x64xf32, #tpu.memory_space<vmem_shared>>
    %dma_wait3A_95 = tpu.memref_slice %arg12[%dma_wait3A_80] : memref<4x!tpu.dma_semaphore, #tpu.memory_space<semaphore_mem>> -> memref<1x!tpu.dma_semaphore, #tpu.memory_space<semaphore_mem>>
    %dma_wait3A_96 = tpu.memref_squeeze %dma_wait3A_95 : memref<1x!tpu.dma_semaphore, #tpu.memory_space<semaphore_mem>> -> memref<!tpu.dma_semaphore, #tpu.memory_space<semaphore_mem>>
    tpu.wait_indirect_dma semaphore(%dma_wait3A_96 : memref<!tpu.dma_semaphore, #tpu.memory_space<semaphore_mem>>) src(%dma_wait3A_84 : memref<125x64xf32, #tpu.memory_space<vmem>>) dst(%dma_wait3A_94 : memref<10016x64xf32, #tpu.memory_space<vmem_shared>>)
    %add3A_97 = arith.constant 1 : i32
    %add3A_98 = arith.addi %scan3A_7, %add3A_97 : i32
    %lt3A_99 = arith.constant 1 : i32
    %lt3A_100 = arith.cmpi slt, %add3A_98, %lt3A_99 : i32
    %convert_element_type3A_101 = arith.extui %lt3A_100 : i1 to i32
    %cond3A_102 = arith.constant 0 : i32
    %cond3A_103 = arith.cmpi ne, %convert_element_type3A_101, %cond3A_102 : i32
    scf.if %cond3A_103 {
      %add3A_106 = arith.constant 1 : i32
      %add3A_107 = arith.addi %scan3A_7, %add3A_106 : i32
      %dma_wait3A_108 = arith.constant 0 : i32
      %dma_wait3A_109 = arith.constant 0 : i32
      %dma_wait3A_110 = arith.constant 0 : i32
      %dma_wait3A_111 = tpu.memref_slice %arg7[%rem3A_12, %dma_wait3A_109, %dma_wait3A_110] : memref<2x80x125xi32, #tpu.memory_space<vmem>> -> memref<1x80x125xi32, #tpu.memory_space<vmem>>
      %dma_wait3A_112 = tpu.memref_squeeze %dma_wait3A_111 : memref<1x80x125xi32, #tpu.memory_space<vmem>> -> memref<80x125xi32, #tpu.memory_space<vmem>>
      %dma_wait3A_113 = arith.constant 0 : i32
      %dma_wait3A_114 = arith.constant 0 : i32
      %dma_wait3A_115 = tpu.memref_slice %arg3[%add3A, %add3A_107, %dma_wait3A_113, %dma_wait3A_114] : memref<32x1x80x125xi32, #tpu.memory_space<hbm>> -> memref<1x1x80x125xi32, #tpu.memory_space<hbm>>
      %dma_wait3A_116 = tpu.memref_squeeze %dma_wait3A_115 : memref<1x1x80x125xi32, #tpu.memory_space<hbm>> -> memref<80x125xi32, #tpu.memory_space<hbm>>
      %dma_wait3A_117 = tpu.memref_slice %arg13[%dma_wait3A_108] : memref<2x!tpu.dma_semaphore, #tpu.memory_space<semaphore_mem>> -> memref<1x!tpu.dma_semaphore, #tpu.memory_space<semaphore_mem>>
      %dma_wait3A_118 = tpu.memref_squeeze %dma_wait3A_117 : memref<1x!tpu.dma_semaphore, #tpu.memory_space<semaphore_mem>> -> memref<!tpu.dma_semaphore, #tpu.memory_space<semaphore_mem>>
      %dma_wait3A_119 = arith.constant 0 : i32
      %dma_wait3A_120 = arith.constant 0 : i32
      %dma_wait3A_121 = tpu.memref_slice %arg7[%rem3A_12, %dma_wait3A_119, %dma_wait3A_120] : memref<2x80x125xi32, #tpu.memory_space<vmem>> -> memref<1x80x125xi32, #tpu.memory_space<vmem>>
      %dma_wait3A_122 = tpu.memref_squeeze %dma_wait3A_121 : memref<1x80x125xi32, #tpu.memory_space<vmem>> -> memref<80x125xi32, #tpu.memory_space<vmem>>
      %dma_wait3A_123 = arith.constant 0 : i32
      %dma_wait3A_124 = arith.constant 0 : i32
      %dma_wait3A_125 = tpu.memref_slice %arg3[%add3A, %add3A_107, %dma_wait3A_123, %dma_wait3A_124] : memref<32x1x80x125xi32, #tpu.memory_space<hbm>> -> memref<1x1x80x125xi32, #tpu.memory_space<hbm>>
      %dma_wait3A_126 = tpu.memref_squeeze %dma_wait3A_125 : memref<1x1x80x125xi32, #tpu.memory_space<hbm>> -> memref<80x125xi32, #tpu.memory_space<hbm>>
      tpu.wait_dma2 semaphore(%dma_wait3A_118 : memref<!tpu.dma_semaphore, #tpu.memory_space<semaphore_mem>>) src(%dma_wait3A_126 : memref<80x125xi32, #tpu.memory_space<hbm>>) dst(%dma_wait3A_122 : memref<80x125xi32, #tpu.memory_space<vmem>>)
      %add3A_127 = arith.constant 1 : i32
      %add3A_128 = arith.addi %scan3A_7, %add3A_127 : i32
      %dma_wait3A_129 = arith.constant 1 : i32
      %dma_wait3A_130 = arith.constant 0 : i32
      %dma_wait3A_131 = arith.constant 0 : i32
      %dma_wait3A_132 = tpu.memref_slice %arg8[%rem3A_12, %dma_wait3A_130, %dma_wait3A_131] : memref<2x80x125xi32, #tpu.memory_space<vmem>> -> memref<1x80x125xi32, #tpu.memory_space<vmem>>
      %dma_wait3A_133 = tpu.memref_squeeze %dma_wait3A_132 : memref<1x80x125xi32, #tpu.memory_space<vmem>> -> memref<80x125xi32, #tpu.memory_space<vmem>>
      %dma_wait3A_134 = arith.constant 0 : i32
      %dma_wait3A_135 = arith.constant 0 : i32
      %dma_wait3A_136 = tpu.memref_slice %arg4[%add3A, %add3A_128, %dma_wait3A_134, %dma_wait3A_135] : memref<32x1x80x125xi32, #tpu.memory_space<hbm>> -> memref<1x1x80x125xi32, #tpu.memory_space<hbm>>
      %dma_wait3A_137 = tpu.memref_squeeze %dma_wait3A_136 : memref<1x1x80x125xi32, #tpu.memory_space<hbm>> -> memref<80x125xi32, #tpu.memory_space<hbm>>
      %dma_wait3A_138 = tpu.memref_slice %arg13[%dma_wait3A_129] : memref<2x!tpu.dma_semaphore, #tpu.memory_space<semaphore_mem>> -> memref<1x!tpu.dma_semaphore, #tpu.memory_space<semaphore_mem>>
      %dma_wait3A_139 = tpu.memref_squeeze %dma_wait3A_138 : memref<1x!tpu.dma_semaphore, #tpu.memory_space<semaphore_mem>> -> memref<!tpu.dma_semaphore, #tpu.memory_space<semaphore_mem>>
      %dma_wait3A_140 = arith.constant 0 : i32
      %dma_wait3A_141 = arith.constant 0 : i32
      %dma_wait3A_142 = tpu.memref_slice %arg8[%rem3A_12, %dma_wait3A_140, %dma_wait3A_141] : memref<2x80x125xi32, #tpu.memory_space<vmem>> -> memref<1x80x125xi32, #tpu.memory_space<vmem>>
      %dma_wait3A_143 = tpu.memref_squeeze %dma_wait3A_142 : memref<1x80x125xi32, #tpu.memory_space<vmem>> -> memref<80x125xi32, #tpu.memory_space<vmem>>
      %dma_wait3A_144 = arith.constant 0 : i32
      %dma_wait3A_145 = arith.constant 0 : i32
      %dma_wait3A_146 = tpu.memref_slice %arg4[%add3A, %add3A_128, %dma_wait3A_144, %dma_wait3A_145] : memref<32x1x80x125xi32, #tpu.memory_space<hbm>> -> memref<1x1x80x125xi32, #tpu.memory_space<hbm>>
      %dma_wait3A_147 = tpu.memref_squeeze %dma_wait3A_146 : memref<1x1x80x125xi32, #tpu.memory_space<hbm>> -> memref<80x125xi32, #tpu.memory_space<hbm>>
      tpu.wait_dma2 semaphore(%dma_wait3A_139 : memref<!tpu.dma_semaphore, #tpu.memory_space<semaphore_mem>>) src(%dma_wait3A_147 : memref<80x125xi32, #tpu.memory_space<hbm>>) dst(%dma_wait3A_143 : memref<80x125xi32, #tpu.memory_space<vmem>>)
    } else {
    }
    %scan3A_104 = arith.constant 1 : i32
    %barrier3A_105 = arith.constant 0 : index
    tpu.barrier barrier_id(%barrier3A_105)
    "tpu.region"() ({
      %run_scoped3A_106 = tpu.sem_alloc : memref<!tpu.dma_semaphore, #tpu.memory_space<semaphore_mem>>
      %dma_start3A_107 = arith.constant 0 : i32
      %dma_start3A_108 = arith.constant 0 : i32
      %dma_start3A_109 = tpu.memref_slice %arg6[%arg0, %arg1, %dma_start3A_107, %dma_start3A_108] : memref<2x16x626x64xf32, #tpu.memory_space<hbm>> -> memref<1x1x626x64xf32, #tpu.memory_space<hbm>>
      %dma_start3A_110 = tpu.memref_squeeze %dma_start3A_109 : memref<1x1x626x64xf32, #tpu.memory_space<hbm>> -> memref<626x64xf32, #tpu.memory_space<hbm>>
      %dma_start3A_111 = arith.constant 0 : i32
      %dma_start3A_112 = tpu.memref_slice %arg10[%mul3A_2, %dma_start3A_111] : memref<10016x64xf32, #tpu.memory_space<vmem_shared>> -> memref<626x64xf32, #tpu.memory_space<vmem_shared>>
      tpu.enqueue_dma source(%dma_start3A_112 : memref<626x64xf32, #tpu.memory_space<vmem_shared>>) target(%dma_start3A_110 : memref<626x64xf32, #tpu.memory_space<hbm>>) target_semaphore(%run_scoped3A_106 : memref<!tpu.dma_semaphore, #tpu.memory_space<semaphore_mem>>)
      %dma_wait3A_113 = arith.constant 0 : i32
      %dma_wait3A_114 = arith.constant 0 : i32
      %dma_wait3A_115 = tpu.memref_slice %arg6[%arg0, %arg1, %dma_wait3A_113, %dma_wait3A_114] : memref<2x16x626x64xf32, #tpu.memory_space<hbm>> -> memref<1x1x626x64xf32, #tpu.memory_space<hbm>>
      %dma_wait3A_116 = tpu.memref_squeeze %dma_wait3A_115 : memref<1x1x626x64xf32, #tpu.memory_space<hbm>> -> memref<626x64xf32, #tpu.memory_space<hbm>>
      %dma_wait3A_117 = arith.constant 0 : i32
      %dma_wait3A_118 = tpu.memref_slice %arg10[%mul3A_2, %dma_wait3A_117] : memref<10016x64xf32, #tpu.memory_space<vmem_shared>> -> memref<626x64xf32, #tpu.memory_space<vmem_shared>>
      tpu.wait_dma2 semaphore(%run_scoped3A_106 : memref<!tpu.dma_semaphore, #tpu.memory_space<semaphore_mem>>) src(%dma_wait3A_118 : memref<626x64xf32, #tpu.memory_space<vmem_shared>>) dst(%dma_wait3A_116 : memref<626x64xf32, #tpu.memory_space<hbm>>)
      tpu.yield
    }) : () -> ()
    return
  }
}

module attributes {stable_mosaic.version = 14 : i64} {
  func.func @body(%arg0: i32, %arg1: memref<2x1000x128xf32, #tpu.memory_space<vmem>>, %arg2: memref<1000x32xf32, #tpu.memory_space<vmem>>, %arg3: memref<1000x128xf32, #tpu.memory_space<vmem>>, %arg4: memref<1x128xf32, #tpu.memory_space<vmem>>, %arg5: memref<128x128xf32, #tpu.memory_space<vmem>>, %arg6: memref<128x64xf32, #tpu.memory_space<vmem>>, %arg7: memref<1000x64xf32, #tpu.memory_space<vmem>>, %arg8: memref<1000x1xf32, #tpu.memory_space<vmem>>) attributes {dimension_semantics = [#tpu.dimension_semantics<arbitrary>], iteration_bounds = array<i64: 10>, scalar_prefetch = 0 : i64, scratch_operands = 0 : i64, tpu.core_type = #tpu.core_type<tc>, window_params = [{transform_indices = @transform_0, window_bounds = array<i64: 2, 1000, 128>}, {transform_indices = @transform_1, window_bounds = array<i64: 1000, 32>}, {transform_indices = @transform_2, window_bounds = array<i64: 1000, 128>}, {pipeline_mode = #tpu.pipeline_mode<synchronous>, transform_indices = @transform_3, window_bounds = array<i64: 1, 128>}, {pipeline_mode = #tpu.pipeline_mode<synchronous>, transform_indices = @transform_4, window_bounds = array<i64: 128, 128>}, {pipeline_mode = #tpu.pipeline_mode<synchronous>, transform_indices = @transform_5, window_bounds = array<i64: 128, 64>}, {transform_indices = @transform_6, window_bounds = array<i64: 1000, 64>}, {transform_indices = @transform_7, window_bounds = array<i64: 1000, 1>}]} {
    %get3A = arith.constant 0 : index
    %get3A_0 = arith.constant 0 : index
    %get3A_1 = arith.constant 0 : index
    %get3A_2 = vector.load %arg1[%get3A, %get3A_0, %get3A_1] : memref<2x1000x128xf32, #tpu.memory_space<vmem>>, vector<1x1000x128xf32>
    %get3A_3 = vector.shape_cast %get3A_2 : vector<1x1000x128xf32> to vector<1000x128xf32>
    %get3A_4 = arith.constant 1 : index
    %get3A_5 = arith.constant 0 : index
    %get3A_6 = arith.constant 0 : index
    %get3A_7 = vector.load %arg1[%get3A_4, %get3A_5, %get3A_6] : memref<2x1000x128xf32, #tpu.memory_space<vmem>>, vector<1x1000x128xf32>
    %get3A_8 = vector.shape_cast %get3A_7 : vector<1x1000x128xf32> to vector<1000x128xf32>
    %add3A = arith.addf %get3A_3, %get3A_8 : vector<1000x128xf32>
    %get3A_9 = arith.constant 0 : index
    %get3A_10 = arith.constant 0 : index
    %get3A_11 = vector.load %arg2[%get3A_9, %get3A_10] : memref<1000x32xf32, #tpu.memory_space<vmem>>, vector<1000x32xf32>
    %reduce_sum3A = arith.constant dense<0.000000e+00> : vector<1000xf32>
    %reduce_sum3A_12 = vector.multi_reduction <add>, %get3A_11, %reduce_sum3A [1] : vector<1000x32xf32> to vector<1000xf32>
    %max3A = arith.constant 1.000000e+00 : f32
    %max3A_13 = vector.broadcast %max3A : f32 to vector<1000xf32>
    %max3A_14 = arith.maximumf %reduce_sum3A_12, %max3A_13 : vector<1000xf32>
    %div3A = arith.constant 1.000000e+00 : f32
    %div3A_15 = vector.broadcast %div3A : f32 to vector<1000xf32>
    %div3A_16 = arith.divf %div3A_15, %max3A_14 : vector<1000xf32>
    %broadcast_in_dim3A = vector.shape_cast %div3A_16 : vector<1000xf32> to vector<1000x1xf32>
    %mul3A = vector.broadcast %broadcast_in_dim3A : vector<1000x1xf32> to vector<1000x128xf32>
    %mul3A_17 = arith.mulf %add3A, %mul3A : vector<1000x128xf32>
    %get3A_18 = arith.constant 0 : index
    %get3A_19 = arith.constant 0 : index
    %get3A_20 = vector.load %arg3[%get3A_18, %get3A_19] : memref<1000x128xf32, #tpu.memory_space<vmem>>, vector<1000x128xf32>
    %add3A_21 = arith.addf %mul3A_17, %get3A_20 : vector<1000x128xf32>
    %get3A_22 = arith.constant 0 : index
    %get3A_23 = arith.constant 0 : index
    %get3A_24 = vector.load %arg5[%get3A_22, %get3A_23] : memref<128x128xf32, #tpu.memory_space<vmem>>, vector<128x128xf32>
    %dot_general3A = arith.constant dense<0.000000e+00> : vector<1000x128xf32>
    %dot_general3A_25 = tpu.matmul %add3A_21, %get3A_24, %dot_general3A {dimension_numbers = #tpu.dot_dimension_numbers<[1], [0], [0], [1], [0, 0, 1, 1], [], []>, transpose_lhs_hint = false} : vector<1000x128xf32>, vector<128x128xf32>, vector<1000x128xf32> -> vector<1000x128xf32>
    %get3A_26 = arith.constant 0 : index
    %get3A_27 = arith.constant 0 : index
    %get3A_28 = vector.load %arg4[%get3A_26, %get3A_27] : memref<1x128xf32, #tpu.memory_space<vmem>>, vector<1x128xf32>
    %add3A_29 = vector.broadcast %get3A_28 : vector<1x128xf32> to vector<1000x128xf32>
    %add3A_30 = arith.addf %dot_general3A_25, %add3A_29 : vector<1000x128xf32>
    %max3A_31 = arith.constant 0.000000e+00 : f32
    %max3A_32 = vector.broadcast %max3A_31 : f32 to vector<1000x128xf32>
    %max3A_33 = arith.maximumf %add3A_30, %max3A_32 : vector<1000x128xf32>
    %get3A_34 = arith.constant 0 : index
    %get3A_35 = arith.constant 0 : index
    %get3A_36 = vector.load %arg6[%get3A_34, %get3A_35] : memref<128x64xf32, #tpu.memory_space<vmem>>, vector<128x64xf32>
    %dot_general3A_37 = arith.constant dense<0.000000e+00> : vector<1000x64xf32>
    %dot_general3A_38 = tpu.matmul %max3A_33, %get3A_36, %dot_general3A_37 {dimension_numbers = #tpu.dot_dimension_numbers<[1], [0], [0], [1], [0, 0, 1, 1], [], []>, transpose_lhs_hint = false} : vector<1000x128xf32>, vector<128x64xf32>, vector<1000x64xf32> -> vector<1000x64xf32>
    %swap3A = arith.constant 0 : index
    %swap3A_39 = arith.constant 0 : index
    %swap3A_40 = vector.load %arg7[%swap3A, %swap3A_39] : memref<1000x64xf32, #tpu.memory_space<vmem>>, vector<1000x64xf32>
    tpu.vector_store %arg7[%swap3A, %swap3A_39], %dot_general3A_38 {strides = array<i32>} : memref<1000x64xf32, #tpu.memory_space<vmem>>, vector<1000x64xf32>,
    %broadcast_in_dim3A_41 = vector.shape_cast %div3A_16 : vector<1000xf32> to vector<1000x1xf32>
    %swap3A_42 = arith.constant 0 : index
    %swap3A_43 = arith.constant 0 : index
    %swap3A_44 = vector.load %arg8[%swap3A_42, %swap3A_43] : memref<1000x1xf32, #tpu.memory_space<vmem>>, vector<1000x1xf32>
    tpu.vector_store %arg8[%swap3A_42, %swap3A_43], %broadcast_in_dim3A_41 {strides = array<i32>} : memref<1000x1xf32, #tpu.memory_space<vmem>>, vector<1000x1xf32>,
    return
  }
  func.func @transform_0(%arg0: i32) -> (i32, i32, i32) {
    %c0_i32 = arith.constant 0 : i32
    %c0_i32_0 = arith.constant 0 : i32
    %c0_i32_1 = arith.constant 0 : i32
    return %c0_i32, %arg0, %c0_i32_0 : i32, i32, i32
  }
  func.func @transform_1(%arg0: i32) -> (i32, i32) {
    %c0_i32 = arith.constant 0 : i32
    %c0_i32_0 = arith.constant 0 : i32
    return %arg0, %c0_i32 : i32, i32
  }
  func.func @transform_2(%arg0: i32) -> (i32, i32) {
    %c0_i32 = arith.constant 0 : i32
    %c0_i32_0 = arith.constant 0 : i32
    return %arg0, %c0_i32 : i32, i32
  }
  func.func @transform_3(%arg0: i32) -> (i32, i32) {
    %c0_i32 = arith.constant 0 : i32
    %c0_i32_0 = arith.constant 0 : i32
    %c0_i32_1 = arith.constant 0 : i32
    return %c0_i32, %c0_i32_0 : i32, i32
  }
  func.func @transform_4(%arg0: i32) -> (i32, i32) {
    %c0_i32 = arith.constant 0 : i32
    %c0_i32_0 = arith.constant 0 : i32
    %c0_i32_1 = arith.constant 0 : i32
    return %c0_i32, %c0_i32_0 : i32, i32
  }
  func.func @transform_5(%arg0: i32) -> (i32, i32) {
    %c0_i32 = arith.constant 0 : i32
    %c0_i32_0 = arith.constant 0 : i32
    %c0_i32_1 = arith.constant 0 : i32
    return %c0_i32, %c0_i32_0 : i32, i32
  }
  func.func @transform_6(%arg0: i32) -> (i32, i32) {
    %c0_i32 = arith.constant 0 : i32
    %c0_i32_0 = arith.constant 0 : i32
    return %arg0, %c0_i32 : i32, i32
  }
  func.func @transform_7(%arg0: i32) -> (i32, i32) {
    %c0_i32 = arith.constant 0 : i32
    %c0_i32_0 = arith.constant 0 : i32
    return %arg0, %c0_i32 : i32, i32
  }
}

module attributes {stable_mosaic.version = 14 : i64} {
  func.func @body(%arg0: i32, %arg1: memref<2x1000x64xf32, #tpu.memory_space<vmem>>, %arg2: memref<1000x1xf32, #tpu.memory_space<vmem>>, %arg3: memref<1000x64xf32, #tpu.memory_space<vmem>>, %arg4: memref<1x64xf32, #tpu.memory_space<vmem>>, %arg5: memref<1000x64xf32, #tpu.memory_space<vmem>>) attributes {dimension_semantics = [#tpu.dimension_semantics<arbitrary>], iteration_bounds = array<i64: 10>, scalar_prefetch = 0 : i64, scratch_operands = 0 : i64, tpu.core_type = #tpu.core_type<tc>, window_params = [{transform_indices = @transform_0, window_bounds = array<i64: 2, 1000, 64>}, {transform_indices = @transform_1, window_bounds = array<i64: 1000, 1>}, {transform_indices = @transform_2, window_bounds = array<i64: 1000, 64>}, {pipeline_mode = #tpu.pipeline_mode<synchronous>, transform_indices = @transform_3, window_bounds = array<i64: 1, 64>}, {transform_indices = @transform_4, window_bounds = array<i64: 1000, 64>}]} {
    %get3A = arith.constant 0 : index
    %get3A_0 = arith.constant 0 : index
    %get3A_1 = arith.constant 0 : index
    %get3A_2 = vector.load %arg1[%get3A, %get3A_0, %get3A_1] : memref<2x1000x64xf32, #tpu.memory_space<vmem>>, vector<1x1000x64xf32>
    %get3A_3 = vector.shape_cast %get3A_2 : vector<1x1000x64xf32> to vector<1000x64xf32>
    %get3A_4 = arith.constant 1 : index
    %get3A_5 = arith.constant 0 : index
    %get3A_6 = arith.constant 0 : index
    %get3A_7 = vector.load %arg1[%get3A_4, %get3A_5, %get3A_6] : memref<2x1000x64xf32, #tpu.memory_space<vmem>>, vector<1x1000x64xf32>
    %get3A_8 = vector.shape_cast %get3A_7 : vector<1x1000x64xf32> to vector<1000x64xf32>
    %add3A = arith.addf %get3A_3, %get3A_8 : vector<1000x64xf32>
    %get3A_9 = arith.constant 0 : index
    %get3A_10 = arith.constant 0 : index
    %get3A_11 = vector.load %arg2[%get3A_9, %get3A_10] : memref<1000x1xf32, #tpu.memory_space<vmem>>, vector<1000x1xf32>
    %mul3A = vector.broadcast %get3A_11 : vector<1000x1xf32> to vector<1000x64xf32>
    %mul3A_12 = arith.mulf %add3A, %mul3A : vector<1000x64xf32>
    %get3A_13 = arith.constant 0 : index
    %get3A_14 = arith.constant 0 : index
    %get3A_15 = vector.load %arg3[%get3A_13, %get3A_14] : memref<1000x64xf32, #tpu.memory_space<vmem>>, vector<1000x64xf32>
    %add3A_16 = arith.addf %mul3A_12, %get3A_15 : vector<1000x64xf32>
    %get3A_17 = arith.constant 0 : index
    %get3A_18 = arith.constant 0 : index
    %get3A_19 = vector.load %arg4[%get3A_17, %get3A_18] : memref<1x64xf32, #tpu.memory_space<vmem>>, vector<1x64xf32>
    %add3A_20 = vector.broadcast %get3A_19 : vector<1x64xf32> to vector<1000x64xf32>
    %add3A_21 = arith.addf %add3A_16, %add3A_20 : vector<1000x64xf32>
    %swap3A = arith.constant 0 : index
    %swap3A_22 = arith.constant 0 : index
    %swap3A_23 = vector.load %arg5[%swap3A, %swap3A_22] : memref<1000x64xf32, #tpu.memory_space<vmem>>, vector<1000x64xf32>
    tpu.vector_store %arg5[%swap3A, %swap3A_22], %add3A_21 {strides = array<i32>} : memref<1000x64xf32, #tpu.memory_space<vmem>>, vector<1000x64xf32>,
    return
  }
  func.func @transform_0(%arg0: i32) -> (i32, i32, i32) {
    %c0_i32 = arith.constant 0 : i32
    %c0_i32_0 = arith.constant 0 : i32
    %c0_i32_1 = arith.constant 0 : i32
    return %c0_i32, %arg0, %c0_i32_0 : i32, i32, i32
  }
  func.func @transform_1(%arg0: i32) -> (i32, i32) {
    %c0_i32 = arith.constant 0 : i32
    %c0_i32_0 = arith.constant 0 : i32
    return %arg0, %c0_i32 : i32, i32
  }
  func.func @transform_2(%arg0: i32) -> (i32, i32) {
    %c0_i32 = arith.constant 0 : i32
    %c0_i32_0 = arith.constant 0 : i32
    return %arg0, %c0_i32 : i32, i32
  }
  func.func @transform_3(%arg0: i32) -> (i32, i32) {
    %c0_i32 = arith.constant 0 : i32
    %c0_i32_0 = arith.constant 0 : i32
    %c0_i32_1 = arith.constant 0 : i32
    return %c0_i32, %c0_i32_0 : i32, i32
  }
  func.func @transform_4(%arg0: i32) -> (i32, i32) {
    %c0_i32 = arith.constant 0 : i32
    %c0_i32_0 = arith.constant 0 : i32
    return %arg0, %c0_i32 : i32, i32
  }
}

</mosaic_0001>

<sc_bundles>
// kernel: kernel.6.cloned.1.call-start
scs
__scs_entry_jumppad:
0x0: {  	(pc) =	sbr.rel $0x88, $3  }
0x1: {  	(tag) =	ssettag $0x0;
	lr =	simm.s32 $0x1  }
0x2: {  	[smem:$0x3F9B] =	sst lr;
	_ =	strace $0xD0000000  }
0x3: {  	_ = 	snop  }
0x4: {  	_ = 	snop  }
0x5: {  	_ = 	snop  }
0x6: {  	_ = 	snop  }
0x7: {  	_ = 	snop  }
__scs_overlays_trampoline_lowered:
0x8: {  	[smem:$0x3FAA] =	sst s0  }
0x9: {  	[smem:$0x3FAB] =	sst s1  }
0xa: {  	[smem:$0x3FAC] =	sst s2  }
0xb: {  	[smem:$0x3FAD] =	sst s3  }
0xc: {  	[smem:$0x3FAE] =	sst s4  }
0xd: {  	[smem:$0x3FAF] =	sst s5  }
0xe: {  	[smem:$0x3FB0] =	sst s6  }
0xf: {  	[smem:$0x3FB1] =	sst s7  }
0x10: {  	[smem:$0x3FB2] =	sst s8  }
0x11: {  	[smem:$0x3FB3] =	sst s9;
	s0 =	simm.s32 @!p0 $0x0  }
0x12: {  	s1 =	sld [smem:$0x3F99];
	s0 =	simm.s32 @p0 $0x1  }
0x13: {  	[smem:$0x3FB4] =	sst s0;
	s0 =	simm.s32 @!p1 $0x0  }
0x14: {  	s2 =	sld [smem:$0x3F98];
	s0 =	simm.s32 @p1 $0x1  }
0x15: {  	[smem:$0x3FB5] =	sst s0;
	s0 =	simm.s32 @!p2 $0x0  }
0x16: {  	s3 =	sld [smem:$0x3FDB];
	s0 =	simm.s32 @p2 $0x1  }
0x17: {  	s4 =	simm.s32 $0x1BF5;
	[smem:$0x3FB7] =	sst s0  }
0x18: {  	s0 =	sld [smem:$0x3F9A];
	_ =	swait.ge [sflag:s4], $0x0  }
0x19: {  	s7 =	sld [smem:$0x3F9B]  }
0x1a: {  	s8 =	sadd.s32 $0xFFFFE003, lr  }
0x1b: {  	s9 =	sadd.s32 $0xFFFFFEF7, lr;
	s5 =	simm.s32 $0xFFFFFFFF;
	p2 =	slt.u32 s8, $0xFFFFF086  }
0x1c: {  	p1 =	slt.u32 s9, $0xF7A;
	s5 =	simm.s32 @!p2 $0x0  }
0x1d: {  	s5 =	simm.s32 @p1 $0x1;
	p0 =	seq.s32 s7, s2  }
0x1e: {  	s7 =	smul.u32 @!p0 $0xF7A, s2;
	p2 =	seq.s32 @!p0 s5, $0x0  }
0x1f: {  	s9 =	smul.u32 $0xF7A, s1;
	s8 =	simm.s32 @!p0 $0x1BF5;
	p2 =	por !p2, p0  }
0x20: {  	[sflag:s8] =	ssyncset.s32 @!p0 $0xFFFFF086;
	s6 =	sadd.s32 @!p0 s3, s7;
	s7 =	simm.s32 @!p0 $0x108  }
0x21: {  	s3 =	sadd.s32 s3, s9;
	s6 =	sadd.s32 @!p0 $0x88, s6;
	s7 =	simm.s32 @p2 $0x1082  }
0x22: {  	[simem:s7], [sflag:s8] =	dma.local @!p0 [hbm:s6], $0xF7A  }
0x23: {  	s9 =	sor.u32 $0xD0000000, s2;
	s6 =	simm.s32 $0x108;
	_ =	swait.ge @!p0 [sflag:s8], $0x0  }
0x24: {  	s3 =	sadd.s32 $0x88, s3;
	s6 =	simm.s32 @!p1 $0x1082;
	[sflag:s4] =	ssyncset.s32 $0xFFFFF086  }
0x25: {  	[simem:s6], [sflag:s4] =	dma.local [hbm:s3], $0xF7A  }
0x26: {  	[smem:$0x3F9B] =	sst s1;
	(tag) =	ssettag s2;
	_ =	strace s9  }
0x27: {  	s1 =	sld [smem:$0x3FAB]  }
0x28: {  	s2 =	sld [smem:$0x3FAC]  }
0x29: {  	s4 =	sld [smem:$0x3FAE]  }
0x2a: {  	p0 =	seq.s32 s5, $0x0;
	s5 =	sld [smem:$0x3FAF]  }
0x2b: {  	s6 =	sld [smem:$0x3FB0]  }
0x2c: {  	s7 =	sld [smem:$0x3FB1]  }
0x2d: {  	s3 =	simm.s32 $0x108;
	s8 =	sld [smem:$0x3FB2]  }
0x2e: {  	s3 =	simm.s32 @!p0 $0x1082;
	s9 =	sld [smem:$0x3FB3]  }
0x2f: {  	lr =	sadd.s32 s0, s3;
	s0 =	sld [smem:$0x3FAA]  }
0x30: {  	s3 =	sld [smem:$0x3FAD]  }
0x31: {  	[smem:$0x3FB6] =	sst s10  }
0x32: {  	s10 =	sld [smem:$0x3FB4];
	_ =	sdelay $0x3  }
0x33: {  	p0 =	seq.s32 s10, $0x1;
	s10 =	sld [smem:$0x3FB6];
	_ =	sdelay $0x3  }
0x34: {  	[smem:$0x3FB6] =	sst s10  }
0x35: {  	s10 =	sld [smem:$0x3FB5];
	_ =	sdelay $0x3  }
0x36: {  	p1 =	seq.s32 s10, $0x1;
	s10 =	sld [smem:$0x3FB6];
	_ =	sdelay $0x3  }
0x37: {  	[smem:$0x3FB6] =	sst s10  }
0x38: {  	s10 =	sld [smem:$0x3FB7]  }
0x39: {  	_ = 	snop;
	(pc) =	sbr.ind lr, $3  }
0x3a: {  	_ = 	snop  }
0x3b: {  	_ = 	snop  }
0x3c: {  	p2 =	seq.s32 s10, $0x1;
	s10 =	sld [smem:$0x3FB6]  }
0x3d: {  	_ =	shalt  }
0x3e: {  	_ =	shalt  }
0x3f: {  	_ =	shalt  }
0x40: {  	_ =	shalt  }
0x41: {  	_ =	shalt  }
0x42: {  	_ =	shalt  }
0x43: {  	_ =	shalt  }
0x44: {  	_ =	shalt  }
0x45: {  	_ =	shalt  }
0x46: {  	_ =	shalt  }
0x47: {  	_ =	shalt  }
0x48: {  	_ =	shalt  }
0x49: {  	_ =	shalt  }
0x4a: {  	_ =	shalt  }
0x4b: {  	_ =	shalt  }
0x4c: {  	_ =	shalt  }
0x4d: {  	_ =	shalt  }
0x4e: {  	_ =	shalt  }
0x4f: {  	_ =	shalt  }
0x50: {  	_ =	shalt  }
0x51: {  	_ =	shalt  }
0x52: {  	_ =	shalt  }
0x53: {  	_ =	shalt  }
0x54: {  	_ =	shalt  }
0x55: {  	_ =	shalt  }
0x56: {  	_ =	shalt  }
0x57: {  	_ =	shalt  }
0x58: {  	_ =	shalt  }
0x59: {  	_ =	shalt  }
0x5a: {  	_ =	shalt  }
0x5b: {  	_ =	shalt  }
0x5c: {  	_ =	shalt  }
0x5d: {  	_ =	shalt  }
0x5e: {  	_ =	shalt  }
0x5f: {  	_ =	shalt  }
0x60: {  	_ =	shalt  }
0x61: {  	_ =	shalt  }
0x62: {  	_ =	shalt  }
0x63: {  	_ =	shalt  }
0x64: {  	_ =	shalt  }
0x65: {  	_ =	shalt  }
0x66: {  	_ =	shalt  }
0x67: {  	_ =	shalt  }
0x68: {  	_ =	shalt  }
0x69: {  	_ =	shalt  }
0x6a: {  	_ =	shalt  }
0x6b: {  	_ =	shalt  }
0x6c: {  	_ =	shalt  }
0x6d: {  	_ =	shalt  }
0x6e: {  	_ =	shalt  }
0x6f: {  	_ =	shalt  }
0x70: {  	_ =	shalt  }
0x71: {  	_ =	shalt  }
0x72: {  	_ =	shalt  }
0x73: {  	_ =	shalt  }
0x74: {  	_ =	shalt  }
0x75: {  	_ =	shalt  }
0x76: {  	_ =	shalt  }
0x77: {  	_ =	shalt  }
0x78: {  	_ =	shalt  }
0x79: {  	_ =	shalt  }
0x7a: {  	_ =	shalt  }
0x7b: {  	_ =	shalt  }
0x7c: {  	_ =	shalt  }
0x7d: {  	_ =	shalt  }
0x7e: {  	_ =	shalt  }
0x7f: {  	_ =	shalt  }
0x80: {  	_ =	shalt  }
0x81: {  	_ =	shalt  }
0x82: {  	_ =	shalt  }
0x83: {  	_ =	shalt  }
0x84: {  	_ =	shalt  }
0x85: {  	_ =	shalt  }
0x86: {  	_ =	shalt  }
0x87: {  	_ =	shalt  }
.Lfunc_end0:
.L_simem_size_0:
called_computation_lowered:
.L_overlay_start_0:
0x88: {  	s2 =	sld [smem:$0x3FD9]  }
0x89: {  	s3 =	sld [smem:$0x3FFE];
	_ =	sdelay $0x1  }
0x8a: {  	s1 =	srdreg.scid  }
0x8b: {  	s0 =	sand.u32 $0x1, s1  }
0x8c: {  	s17 =	sshll.u32 s0, $0xA;
	s2 =	sadd.s32 s3, s2  }
0x8d: {  	s2 =	sadd.s32 s2, s17  }
0x8e: {  	[smem:$0x3FC2] =	sst s2  }
0x8f: {  	_ = 	snop  }
0x90: {  	s2 =	sld [smem:$0x3FC9]  }
0x91: {  	s18 =	sld [smem:$0x3FD0];
	(tm) =	ssettm $0x1  }
0x92: {  	s4 =	sld [smem:$0x3FFB];
	_ =	sdelay $0x3  }
0x93: {  	_ =	strace s4  }
0x94: {  	s4 =	sld [smem:$0x3FFC];
	_ =	sdelay $0x3  }
0x95: {  	_ =	strace s4  }
0x96: {  	s4 =	sld [smem:$0x3FFD];
	_ =	sdelay $0x3  }
0x97: {  	_ =	strace s4  }
0x98: {  	_ =	strace $0x8FFFFFFF  }
0x99: {  	s19 =	sld [smem:$0x3FDB];
	_ =	sdelay $0x1  }
0x9a: {  	s5 =	simm.s32 $_scs_section_size  }
0x9b: {  	s6 =	simm.s32 $_size__tile_overlayer_lowered;
	s7 =	simm.s32 $_tile_overlayer_lowered  }
0x9c: {  	s22 =	simm.s32 $0x1BFF;
	s21 =	sshll.u32 s7, $0x1;
	s4 =	sadd.s32 s5, s19  }
0x9d: {  	s8 =	simm.s32 $0x0;
	s20 =	sshll.u32 s6, $0x1;
	s6 =	sadd.s32 s21, s4  }
0x9e: {  	[timem:s8], [sflag:s22] =	dma.local [hbm:s6], s20  }
0x9f: {  	_ =	swait.ge [sflag:s22], s20  }
0xa0: {  	s5 =	ssub.s32 $0x0, s20;
	[sflag:s22] =	ssyncset.done $0x0  }
0xa1: {  	[sflag:s22] =	ssyncadd.s32 s5;
	_ =	sdelay $0x1  }
0xa2: {  	s23 =	simm.s32 $0x1B8B  }
0xa3: {  	_ =	swait.ge [sflag:s23], $0x1  }
0xa4: {  	[sflag:s23] =	ssyncset.done $0x0  }
0xa5: {  	s25 =	simm.s32 $0x1B8E;
	s24 =	sld [smem:$0x3FFE];
	[sflag:s23] =	ssyncadd.s32 $0xFFFFFFFF  }
0xa6: {  	s26 =	simm.s32 $execute0_lowered;
	[smem:$0x3FD2] =	sst s25  }
0xa7: {  	s6 =	sshll.u32 s26, $0x1;
	_ =	strace $0x80000046;
	[dreg:$0x1] =	wrdreg $0xFFFFFFFF  }
0xa8: {  	s28 =	simm.s32 $_size_execute0_lowered;
	s4 =	sadd.s32 s4, s6;
	[dreg:$0x0] =	wrdreg $0x0  }
0xa9: {  	s6 =	sshll.u32 s28, $0x1;
	[dreg:$0x2] =	wrdreg s4  }
0xaa: {  	[dreg:$0x3] =	wrdreg s6  }
0xab: {  	[dreg:$0x4] =	wrdreg $0xC0  }
0xac: {  	_ =	task [dreg:s8], $0x5FFFF  }
0xad: {  	[dreg:$0x1] =	wrdreg $0xFFFFFFFF  }
0xae: {  	[dreg:$0x0] =	wrdreg $0x60  }
0xaf: {  	[dreg:$0x2] =	wrdreg s2  }
0xb0: {  	[dreg:$0x3] =	wrdreg s24  }
0xb1: {  	[dreg:$0x4] =	wrdreg s18  }
0xb2: {  	[dreg:$0x5] =	wrdreg $0x97400  }
0xb3: {  	[dreg:$0x6] =	wrdreg $0x9  }
0xb4: {  	_ =	task.clear_ibuf [dreg:s8], $0x7FFFF;
	_ =	strace $0x90000046  }
0xb5: {  	s29 =	simm.s32 $0x9;
	_ =	strace $0x80000048  }
0xb6: {  	_ =	swait.ge [sflag:s29], $0x1  }
0xb7: {  	[sflag:s29] =	ssyncadd.s32 $0xFFFFFFFF  }
0xb8: {  	_ =	strace $0x90000048  }
0xb9: {  	_ =	sfence  }
0xba: {  	s30 =	sld [smem:$0x0];
	_ =	sdelay $0x2  }
0xbb: {  	s31 =	sshll.u32 s1, $0xD;
	s1 =	sshrl.u32 s1, $0x2  }
0xbc: {  	s3 =	sand.u32 $0x4000, s31;
	s1 =	sadd.s32 s1, s30  }
0xbd: {  	s0 =	sor.u32 s3, s0;
	s1 =	sshll.u32 s1, $0x11  }
0xbe: {  	s0 =	sor.u32 s1, s0  }
0xbf: {  	s0 =	sadd.s32 $0x8F2B, s0  }
0xc0: {  	[sflag:s0] =	ssyncadd.remote.s32 $0x1  }
0xc1: {  	_ =	sfence.sel $0xFFFF  }
0xc2: {  	[dreg:$0x0] =	wrdreg $0xFFFFFFFF;
	(pc) =	sbr.abs _section_cstart, $3  }
0xc3: {  	[dreg:$0x1] =	wrdreg $0xFFFFFFFF  }
0xc4: {  	_ =	task.clear_ibuf [dreg:s8], $0x2FFFF;
	_ =	strace $0x9FFFFFFF  }
0xc5: {  	(tm) =	ssettm $0x7FFFFFFF  }
tec
execute0_lowered:
.L_overlay_start_1:
0x0: {  	(tag) =	ssettag $0x1  }
0x1: {  	s1 =	rddreg [dreg:$0x0]  }
0x2: {  	s0 =	rddreg [dreg:$0x1]  }
0x3: {  	s2 =	rddreg [dreg:$0x2]  }
0x4: {  	s3 =	rddreg [dreg:$0x3]  }
0x5: {  	s4 =	srdreg.scid;
	s5 =	simm.s32 $0x0;
	s7 =	stileid.u32  }
0x6: {  	s17 =	simm.s32 $0x1D040;
	s19 =	simm.s32 $0x50;
	s20 =	simm.s32 $0x1F40  }
0x7: {  	s21 =	simm.s32 $0x4740;
	s22 =	simm.s32 $0x4;
	s23 =	simm.s32 $0x9  }
0x8: {  	s24 =	simm.s32 $0x7;
	s4 =	sand.u32 $0x1, s4;
	[smem:$0x7FF] =	sst s5  }
0x9: {  	s9 =	smul.u32 $0x13900, s7;
	s6 =	sadd.s32 $0x1A00, s0;
	s11 =	sadd.s32 $0xB800, s0  }
0xa: {  	s25 =	sadd.s32 $0xE000, s0;
	s12 =	smul.u32 $0x4E400, s7;
	s30 =	sshll.u32 s7, $0x6  }
0xb: {  	s8 =	smul.u32 $0x139000, s4;
	_ =	strace $0x80000047;
	[dreg:$0x5] =	wrdreg s11  }
0xc: {  	s10 =	sshll.u32 s4, $0x4;
	[dreg:$0x6] =	wrdreg s25;
	s4 =	ssub.s32 $0x2, s4  }
0xd: {  	s25 =	simm.s32 $0x0;
	s10 =	sor.u32 s7, s10;
	s28 =	sshrl.u32 s4, $0x1  }
0xe: {  	s29 =	sshrl.u32 s12, $0x2;
	s9 =	sadd.s32 s9, s8;
	s26 =	smul.u32 $0x4E4, s10  }
.Ltmp0:
0xf: {  	s4 =	ssub.s32 s4, s28;
	s9 =	sshrl.u32 s9, $0x3;
	(pc) =	sbr.rel .LBB2_1-.Ltmp0, $4  }
0x10: {  	s16 =	sadd.s32 s29, s3;
	s14 =	sadd.s32 s9, s0;
	s9 =	smul.u32 $0x2710, s10  }
0x11: {  	s15 =	smax.u32 s4, $0x1;
	s16 =	sshrl.u32 s16, $0x3;
	s0 =	sadd.s32 s26, s0  }
0x12: {  	s10 =	sor.u32 $0x1C09, s30;
	s13 =	sadd.s32 $0xE600, s0;
	s31 =	sshrl.u32 s9, $0x3  }
0x13: {  	v0 =	vimm.f32 $1.000000000e+00;
	s14 =	sadd.s32 $0x18400, s14;
	s11 =	sadd.s32 s6, s31;
	s12 =	sadd.s32 s2, s31  }
.LBB2_6:
0x14: {  	[hbm4b:s13+s5] =	stream.linear.scatter [tilespmem:s17], [sflag:$0x9], $0x2720, $0x38;
	[tilespmem:$0x1F760] =	vst v63  }
0x15: {  	_ =	swait.ge [sflag:s23], $0x2720  }
0x16: {  	s25 =	sadd.s32 $0x1, s25;
	[sflag:s23] =	ssyncset.done $0x0  }
0x17: {  	p0 =	sne.s32 s25, s15;
	[sflag:s23] =	ssyncadd.s32 $0xFFFFD8E0  }
.Ltmp1:
0x18: {  	[bflag:$0x0] =	sbarrier.arrive $0xFFFF;
	(pc) =	sbr.rel @!p0 .LBB2_7-.Ltmp1, $4  }
0x19: {  	[hbm:s14], [sflag:s10] =	dma.local [spmem:s16], $0x2720  }
0x1a: {  	_ =	swait.ge [sflag:s23], $0x2720  }
0x1b: {  	[sflag:s23] =	ssyncset.done $0x0  }
0x1c: {  	[sflag:s23] =	ssyncadd.s32 $0xFFFFD8E0  }
.LBB2_1:
0x1d: {  	s0 =	rddreg [dreg:$0x5]  }
0x1e: {  	[spmem:s16], [sflag:s10] =	dma.local [hbm:s0], $0x2720  }
0x1f: {  	_ =	swait.ge [sflag:s23], $0x2720  }
0x20: {  	[sflag:s23] =	ssyncset.done $0x0  }
0x21: {  	s30 =	rddreg [dreg:$0x6];
	[sflag:s23] =	ssyncadd.s32 $0xFFFFD8E0  }
0x22: {  	[tilespmem:s17], [sflag:$0x9] =	stream.linear.gather [hbm4b:s30+s5], $0x2720, $0x38;
	[tilespmem:$0x1F760] =	vst v63  }
0x23: {  	_ =	swait.ge [sflag:s23], $0x2720  }
0x24: {  	[sflag:s23] =	ssyncset.done $0x0  }
0x25: {  	[sflag:s23] =	ssyncadd.s32 $0xFFFFD8E0  }
0x26: {  	[bflag:$0x0] =	sbarrier.arrive $0xFFFF  }
0x27: {  	[tilespmem:s5], [sflag:$0x9] =	stream.linear.gather [hbm4b:s11+s5], $0x7D0, $0x38;
	[tilespmem:$0x1F760] =	vst v63  }
0x28: {  	_ =	swait.ge [sflag:s23], $0x7D0  }
0x29: {  	s31 =	simm.s32 $0xFA0;
	[sflag:s23] =	ssyncset.done $0x0  }
0x2a: {  	s26 =	simm.s32 $0x0;
	s0 =	simm.s32 $0x9;
	[sflag:s23] =	ssyncadd.s32 $0xFFFFF830  }
0x2b: {  	[tilespmem:s31], [sflag:$0x9] =	stream.linear.gather [hbm4b:s12+s5], $0x7D0, $0x38;
	[tilespmem:$0x1F760] =	vst v63  }
.LBB2_2:
0x2c: {  	s4 =	smov.u32 s26  }
0x2d: {  	s26 =	sadd.s32 $0x1, s26;
	p0 =	seq.s32 s4, $0x4  }
0x2e: {  	_ =	swait.ge [sflag:s0], $0x7D0;
	s18 =	smul.u32 @!p0 $0x7D0, s26  }
0x2f: {  	[sflag:s0] =	ssyncset.done $0x0;
	s7 =	sand.u32 $0x1, s4;
	s28 =	sand.u32 @!p0 $0x1, s26  }
0x30: {  	[sflag:s0] =	ssyncadd.s32 $0xFFFFF830;
	p1 =	seq.s32 @!p0 s28, $0x1;
	s0 =	sadd.s32 @!p0 s9, s18  }
0x31: {  	s18 =	simm.s32 @!p0 $0x7D0;
	p1 =	por !p1, p0;
	s0 =	sshrl.u32 @!p0 s0, $0x3  }
0x32: {  	s29 =	simm.s32 @!p0 $0x0;
	s18 =	simm.s32 @p1 $0x0;
	s28 =	sadd.s32 @!p0 s6, s0  }
0x33: {  	[tilespmem:s18], [sflag:$0x7] =	stream.linear.gather @!p0 [hbm4b:s28+s29], $0x7D0, $0x38;
	[tilespmem:$0x1F760] =	vst v63  }
0x34: {  	p1 =	seq.s32 s7, $0x1;
	s28 =	simm.s32 $0x7D0  }
0x35: {  	s0 =	sadd.s32 @!p0 s2, s0;
	s18 =	sadd.s32 @!p0 $0xFA0, s18;
	s28 =	simm.s32 @!p1 $0x0  }
0x36: {  	[tilespmem:s18], [sflag:$0x8] =	stream.linear.gather @!p0 [hbm4b:s0+s29], $0x7D0, $0x38;
	[tilespmem:$0x1F760] =	vst v63  }
0x37: {  	s30 =	simm.s32 $0x0;
	s8 =	sadd.s32 $0xFA0, s28  }
0x38: {  	[tilespmem:s20], [sflag:$0x1] =	stream.indirect.gather [hbm4b:s1+s19], $0x80, s8, s19, $0xb8;
	[tilespmem:$0x1F760] =	vst v63  }
0x39: {  	s31 =	simm.s32 $0x0;
	s18 =	sadd.s32 $0xFF0, s28;
	s29 =	sadd.s32 $0x1040, s28  }
0x3a: {  	v1 =	vmov s28;
	[tilespmem:s21], [sflag:$0x2] =	stream.indirect.gather [hbm4b:s1+s19], $0x80, s18, s19, $0xb8;
	[tilespmem:$0x1F760] =	vst v63  }
.LBB2_3:
0x3b: {  	s0 =	smul.u32 $0xAB, s31;
	_ =	sdelay $0x1  }
0x3c: {  	s4 =	sadd.s32 $0x156, s0  }
0x3d: {  	s4 =	sshrl.u32 s4, $0x9  }
0x3e: {  	s4 =	sand.u32 $0x7F, s4  }
0x3f: {  	s4 =	smul.u32 $0x3, s4;
	_ =	sdelay $0x1  }
0x40: {  	s4 =	ssub.s32 s31, s4  }
0x41: {  	p1 =	seq.s32 s30, $0x0;
	s4 =	sadd.s32 $0x2, s4  }
0x42: {  	p2 =	sgt.u32 @!p1 s31, $0x16;
	s18 =	sand.u32 $0xFF, s4  }
0x43: {  	p2 =	por p1, !p2;
	s4 =	sadd.s32 @!p1 $0x4, s18  }
0x44: {  	s7 =	smul.u32 @p2 $0xA000, s18;
	_ =	swait.ge @!p1 [sflag:s4], $0x2800  }
0x45: {  	[sflag:s4] =	ssyncset.done @!p1 $0x0  }
0x46: {  	s7 =	sshrl.u32 @p2 s7, $0x2;
	[sflag:s4] =	ssyncadd.s32 @!p1 $0xFFFFD800;
	s4 =	sshra.s32 s30, $0x2  }
0x47: {  	s18 =	sadd.s32 @p2 $0x1, s18;
	s7 =	sadd.s32 @p2 $0x1F40, s7;
	s8 =	sadd.s32 @p2 s4, s29  }
0x48: {  	[tilespmem:s7], [sflag:s18] =	stream.indirect.gather @p2 [hbm4b:s1+s19], $0x80, s8, s19, $0xb8;
	[tilespmem:$0x1F760] =	vst v63  }
0x49: {  	v2 =	vld.idx.msk [tilespmem:v1+s4+$0x0 ss:$0x1], $0xffff;
	_ =	sdelay $0x7  }
0x4a: {  	[tilespmem:v2+s17+$0x0] =	vst.idx.add.f32.msk $0xffff, v0  }
0x4b: {  	v2 =	vld.idx.msk [tilespmem:v1+s4+$0x10 ss:$0x1], $0xffff;
	_ =	sdelay $0x7  }
0x4c: {  	[tilespmem:v2+s17+$0x0] =	vst.idx.add.f32.msk $0xffff, v0  }
0x4d: {  	v2 =	vld.idx.msk [tilespmem:v1+s4+$0x20 ss:$0x1], $0xffff;
	_ =	sdelay $0x7  }
0x4e: {  	[tilespmem:v2+s17+$0x0] =	vst.idx.add.f32.msk $0xffff, v0  }
0x4f: {  	v2 =	vld.idx.msk [tilespmem:v1+s4+$0x30 ss:$0x1], $0xffff;
	_ =	sdelay $0x7  }
0x50: {  	[tilespmem:v2+s17+$0x0] =	vst.idx.add.f32.msk $0xffff, v0  }
0x51: {  	v2 =	vld.idx.msk [tilespmem:v1+s4+$0x40 ss:$0x1], $0xffff  }
0x52: {  	s0 =	sshrl.u32 s0, $0x9  }
0x53: {  	s0 =	sand.u32 $0x7F, s0  }
0x54: {  	s0 =	smul.u32 $0x3, s0;
	_ =	sdelay $0x1  }
0x55: {  	s0 =	ssub.s32 s31, s0  }
0x56: {  	s0 =	sand.u32 $0xFF, s0;
	s30 =	sadd.s32 $0x140, s30  }
0x57: {  	p1 =	sne.s32 s30, $0x1F40;
	s18 =	smul.u32 $0xA000, s0  }
.Ltmp2:
0x58: {  	s8 =	sadd.s32 $0x1, s0;
	[tilespmem:v2+s17+$0x0] =	vst.idx.add.f32.msk $0xffff, v0;
	(pc) =	sbr.rel @p1 .LBB2_3-.Ltmp2, $4  }
0x59: {  	s31 =	sadd.s32 $0x1, s31;
	_ =	swait.ge [sflag:s8], $0x2800  }
0x5a: {  	s0 =	sadd.s32 $0x4, s0;
	s18 =	sshrl.u32 s18, $0x2;
	[sflag:s8] =	ssyncset.done $0x0  }
0x5b: {  	s7 =	sadd.s32 $0x1F40, s18;
	s4 =	sadd.s32 s4, s28;
	[sflag:s8] =	ssyncadd.s32 $0xFFFFD800  }
0x5c: {  	[spmem:s3] =	stream.indirect.scatter.add.f32 [tilespmem:s7], [sflag:s0], $0x80, s4, s19, $0xb8;
	[tilespmem:$0x1F760] =	vst v63  }
.Ltmp3:
0x5d: {  	(pc) =	sbr.rel @p0 .LBB2_6-.Ltmp3, $4  }
0x5e: {  	_ = 	snop  }
0x5f: {  	_ =	swait.ge [sflag:s22], $0x2800  }
0x60: {  	[sflag:s22] =	ssyncset.done $0x0  }
0x61: {  	[sflag:s22] =	ssyncadd.s32 $0xFFFFD800  }
.Ltmp4:
0x62: {  	(pc) =	sbr.rel .LBB2_2-.Ltmp4, $4  }
0x63: {  	_ = 	snop  }
0x64: {  	_ =	swait.ge [sflag:s24], $0x7D0  }
0x65: {  	[sflag:s24] =	ssyncset.done $0x0  }
0x66: {  	s0 =	simm.s32 $0x8;
	[sflag:s24] =	ssyncadd.s32 $0xFFFFF830  }
.LBB2_7:
0x67: {  	_ =	sfence.sel $0x180000  }
0x68: {  	[bflag:$0x0] =	sbarrier.arrive $0xFFFF  }
0x69: {  	_ =	strace $0x90000047  }
0x6a: {  	s0 =	stileid.u32;
	[bflag:$0x2] =	sbarrier.arrive $0xFFFF  }
0x6b: {  	p0 =	sne.s32 s0, $0x0;
	s0 =	rddreg [dreg:$0x4]  }
0x6c: {  	s0 =	sadd.s32 @!p0 $0x100000, s0  }
0x6d: {  	[sflag:s0] =	ssyncadd.tile.s32 @!p0 $0x1;
	_ =	shalt  }
.Lfunc_end2:
_tile_overlayer_lowered:
.L_overlay_start_2:
0x6e: {  	(tag) =	ssettag $0x2  }
0x6f: {  	s0 =	rddreg [dreg:$0x0];
	s2 =	stileid.u32  }
0x70: {  	s1 =	rddreg [dreg:$0x1];
	p0 =	sne.s32 s2, $0x0  }
0x71: {  	s3 =	rddreg [dreg:$0x2];
	[bflag:$0x3] =	sbarrier.arrive $0xFFFF;
	s2 =	simm.s32 @!p0 $0x1C09  }
0x72: {  	[timem:s3], [sflag:s2] =	dma.local @!p0 [hbm:s0], s1  }
0x73: {  	s0 =	simm.s32 @!p0 $0x9  }
0x74: {  	_ =	swait.ge @!p0 [sflag:s0], s1  }
0x75: {  	s1 =	ssub.s32 @!p0 $0x0, s1;
	[sflag:s0] =	ssyncset.done @!p0 $0x0  }
0x76: {  	[sflag:s0] =	ssyncadd.s32 @!p0 s1  }
0x77: {  	[bflag:$0x3] =	sbarrier.arrive $0xFFFF  }
0x78: {  	_ =	shalt  }

// kernel: kernel.9.cloned.1.call-start
scs
__scs_entry_jumppad:
0x0: {  	(pc) =	sbr.rel $0x88, $3  }
0x1: {  	(tag) =	ssettag $0x0;
	lr =	simm.s32 $0x1  }
0x2: {  	[smem:$0x3F9B] =	sst lr;
	_ =	strace $0xD0000000  }
0x3: {  	_ = 	snop  }
0x4: {  	_ = 	snop  }
0x5: {  	_ = 	snop  }
0x6: {  	_ = 	snop  }
0x7: {  	_ = 	snop  }
__scs_overlays_trampoline_lowered:
0x8: {  	[smem:$0x3FAA] =	sst s0  }
0x9: {  	[smem:$0x3FAB] =	sst s1  }
0xa: {  	[smem:$0x3FAC] =	sst s2  }
0xb: {  	[smem:$0x3FAD] =	sst s3  }
0xc: {  	[smem:$0x3FAE] =	sst s4  }
0xd: {  	[smem:$0x3FAF] =	sst s5  }
0xe: {  	[smem:$0x3FB0] =	sst s6  }
0xf: {  	[smem:$0x3FB1] =	sst s7  }
0x10: {  	[smem:$0x3FB2] =	sst s8  }
0x11: {  	[smem:$0x3FB3] =	sst s9;
	s0 =	simm.s32 @!p0 $0x0  }
0x12: {  	s1 =	sld [smem:$0x3F99];
	s0 =	simm.s32 @p0 $0x1  }
0x13: {  	[smem:$0x3FB4] =	sst s0;
	s0 =	simm.s32 @!p1 $0x0  }
0x14: {  	s2 =	sld [smem:$0x3F98];
	s0 =	simm.s32 @p1 $0x1  }
0x15: {  	[smem:$0x3FB5] =	sst s0;
	s0 =	simm.s32 @!p2 $0x0  }
0x16: {  	s3 =	sld [smem:$0x3FDB];
	s0 =	simm.s32 @p2 $0x1  }
0x17: {  	s4 =	simm.s32 $0x1BF5;
	[smem:$0x3FB7] =	sst s0  }
0x18: {  	s0 =	sld [smem:$0x3F9A];
	_ =	swait.ge [sflag:s4], $0x0  }
0x19: {  	s7 =	sld [smem:$0x3F9B]  }
0x1a: {  	s8 =	sadd.s32 $0xFFFFE003, lr  }
0x1b: {  	s9 =	sadd.s32 $0xFFFFFEF7, lr;
	s5 =	simm.s32 $0xFFFFFFFF;
	p2 =	slt.u32 s8, $0xFFFFF086  }
0x1c: {  	p1 =	slt.u32 s9, $0xF7A;
	s5 =	simm.s32 @!p2 $0x0  }
0x1d: {  	s5 =	simm.s32 @p1 $0x1;
	p0 =	seq.s32 s7, s2  }
0x1e: {  	s7 =	smul.u32 @!p0 $0xF7A, s2;
	p2 =	seq.s32 @!p0 s5, $0x0  }
0x1f: {  	s9 =	smul.u32 $0xF7A, s1;
	s8 =	simm.s32 @!p0 $0x1BF5;
	p2 =	por !p2, p0  }
0x20: {  	[sflag:s8] =	ssyncset.s32 @!p0 $0xFFFFF086;
	s6 =	sadd.s32 @!p0 s3, s7;
	s7 =	simm.s32 @!p0 $0x108  }
0x21: {  	s3 =	sadd.s32 s3, s9;
	s6 =	sadd.s32 @!p0 $0x88, s6;
	s7 =	simm.s32 @p2 $0x1082  }
0x22: {  	[simem:s7], [sflag:s8] =	dma.local @!p0 [hbm:s6], $0xF7A  }
0x23: {  	s9 =	sor.u32 $0xD0000000, s2;
	s6 =	simm.s32 $0x108;
	_ =	swait.ge @!p0 [sflag:s8], $0x0  }
0x24: {  	s3 =	sadd.s32 $0x88, s3;
	s6 =	simm.s32 @!p1 $0x1082;
	[sflag:s4] =	ssyncset.s32 $0xFFFFF086  }
0x25: {  	[simem:s6], [sflag:s4] =	dma.local [hbm:s3], $0xF7A  }
0x26: {  	[smem:$0x3F9B] =	sst s1;
	(tag) =	ssettag s2;
	_ =	strace s9  }
0x27: {  	s1 =	sld [smem:$0x3FAB]  }
0x28: {  	s2 =	sld [smem:$0x3FAC]  }
0x29: {  	s4 =	sld [smem:$0x3FAE]  }
0x2a: {  	p0 =	seq.s32 s5, $0x0;
	s5 =	sld [smem:$0x3FAF]  }
0x2b: {  	s6 =	sld [smem:$0x3FB0]  }
0x2c: {  	s7 =	sld [smem:$0x3FB1]  }
0x2d: {  	s3 =	simm.s32 $0x108;
	s8 =	sld [smem:$0x3FB2]  }
0x2e: {  	s3 =	simm.s32 @!p0 $0x1082;
	s9 =	sld [smem:$0x3FB3]  }
0x2f: {  	lr =	sadd.s32 s0, s3;
	s0 =	sld [smem:$0x3FAA]  }
0x30: {  	s3 =	sld [smem:$0x3FAD]  }
0x31: {  	[smem:$0x3FB6] =	sst s10  }
0x32: {  	s10 =	sld [smem:$0x3FB4];
	_ =	sdelay $0x3  }
0x33: {  	p0 =	seq.s32 s10, $0x1;
	s10 =	sld [smem:$0x3FB6];
	_ =	sdelay $0x3  }
0x34: {  	[smem:$0x3FB6] =	sst s10  }
0x35: {  	s10 =	sld [smem:$0x3FB5];
	_ =	sdelay $0x3  }
0x36: {  	p1 =	seq.s32 s10, $0x1;
	s10 =	sld [smem:$0x3FB6];
	_ =	sdelay $0x3  }
0x37: {  	[smem:$0x3FB6] =	sst s10  }
0x38: {  	s10 =	sld [smem:$0x3FB7]  }
0x39: {  	_ = 	snop;
	(pc) =	sbr.ind lr, $3  }
0x3a: {  	_ = 	snop  }
0x3b: {  	_ = 	snop  }
0x3c: {  	p2 =	seq.s32 s10, $0x1;
	s10 =	sld [smem:$0x3FB6]  }
0x3d: {  	_ =	shalt  }
0x3e: {  	_ =	shalt  }
0x3f: {  	_ =	shalt  }
0x40: {  	_ =	shalt  }
0x41: {  	_ =	shalt  }
0x42: {  	_ =	shalt  }
0x43: {  	_ =	shalt  }
0x44: {  	_ =	shalt  }
0x45: {  	_ =	shalt  }
0x46: {  	_ =	shalt  }
0x47: {  	_ =	shalt  }
0x48: {  	_ =	shalt  }
0x49: {  	_ =	shalt  }
0x4a: {  	_ =	shalt  }
0x4b: {  	_ =	shalt  }
0x4c: {  	_ =	shalt  }
0x4d: {  	_ =	shalt  }
0x4e: {  	_ =	shalt  }
0x4f: {  	_ =	shalt  }
0x50: {  	_ =	shalt  }
0x51: {  	_ =	shalt  }
0x52: {  	_ =	shalt  }
0x53: {  	_ =	shalt  }
0x54: {  	_ =	shalt  }
0x55: {  	_ =	shalt  }
0x56: {  	_ =	shalt  }
0x57: {  	_ =	shalt  }
0x58: {  	_ =	shalt  }
0x59: {  	_ =	shalt  }
0x5a: {  	_ =	shalt  }
0x5b: {  	_ =	shalt  }
0x5c: {  	_ =	shalt  }
0x5d: {  	_ =	shalt  }
0x5e: {  	_ =	shalt  }
0x5f: {  	_ =	shalt  }
0x60: {  	_ =	shalt  }
0x61: {  	_ =	shalt  }
0x62: {  	_ =	shalt  }
0x63: {  	_ =	shalt  }
0x64: {  	_ =	shalt  }
0x65: {  	_ =	shalt  }
0x66: {  	_ =	shalt  }
0x67: {  	_ =	shalt  }
0x68: {  	_ =	shalt  }
0x69: {  	_ =	shalt  }
0x6a: {  	_ =	shalt  }
0x6b: {  	_ =	shalt  }
0x6c: {  	_ =	shalt  }
0x6d: {  	_ =	shalt  }
0x6e: {  	_ =	shalt  }
0x6f: {  	_ =	shalt  }
0x70: {  	_ =	shalt  }
0x71: {  	_ =	shalt  }
0x72: {  	_ =	shalt  }
0x73: {  	_ =	shalt  }
0x74: {  	_ =	shalt  }
0x75: {  	_ =	shalt  }
0x76: {  	_ =	shalt  }
0x77: {  	_ =	shalt  }
0x78: {  	_ =	shalt  }
0x79: {  	_ =	shalt  }
0x7a: {  	_ =	shalt  }
0x7b: {  	_ =	shalt  }
0x7c: {  	_ =	shalt  }
0x7d: {  	_ =	shalt  }
0x7e: {  	_ =	shalt  }
0x7f: {  	_ =	shalt  }
0x80: {  	_ =	shalt  }
0x81: {  	_ =	shalt  }
0x82: {  	_ =	shalt  }
0x83: {  	_ =	shalt  }
0x84: {  	_ =	shalt  }
0x85: {  	_ =	shalt  }
0x86: {  	_ =	shalt  }
0x87: {  	_ =	shalt  }
.Lfunc_end0:
.L_simem_size_0:
called_computation.1_lowered:
.L_overlay_start_0:
0x88: {  	s2 =	sld [smem:$0x3FD9]  }
0x89: {  	s3 =	sld [smem:$0x3FFE];
	_ =	sdelay $0x1  }
0x8a: {  	s1 =	srdreg.scid  }
0x8b: {  	s0 =	sand.u32 $0x1, s1  }
0x8c: {  	s17 =	sshll.u32 s0, $0xA;
	s2 =	sadd.s32 s3, s2  }
0x8d: {  	s2 =	sadd.s32 s2, s17  }
0x8e: {  	[smem:$0x3FC2] =	sst s2  }
0x8f: {  	_ = 	snop  }
0x90: {  	s2 =	sld [smem:$0x3FD0];
	(tm) =	ssettm $0x1  }
0x91: {  	s18 =	sld [smem:$0x3FFB];
	_ =	sdelay $0x3  }
0x92: {  	_ =	strace s18  }
0x93: {  	s3 =	sld [smem:$0x3FFC];
	_ =	sdelay $0x3  }
0x94: {  	_ =	strace s3  }
0x95: {  	s3 =	sld [smem:$0x3FFD];
	_ =	sdelay $0x3  }
0x96: {  	_ =	strace s3  }
0x97: {  	_ =	strace $0x8FFFFFFF  }
0x98: {  	s19 =	sld [smem:$0x3FDB];
	_ =	sdelay $0x1  }
0x99: {  	s4 =	simm.s32 $_scs_section_size  }
0x9a: {  	s5 =	simm.s32 $_size__tile_overlayer_lowered;
	s6 =	simm.s32 $_tile_overlayer_lowered  }
0x9b: {  	s22 =	simm.s32 $0x1BFF;
	s21 =	sshll.u32 s6, $0x1;
	s3 =	sadd.s32 s4, s19  }
0x9c: {  	s7 =	simm.s32 $0x0;
	s20 =	sshll.u32 s5, $0x1;
	s5 =	sadd.s32 s21, s3  }
0x9d: {  	[timem:s7], [sflag:s22] =	dma.local [hbm:s5], s20  }
0x9e: {  	_ =	swait.ge [sflag:s22], s20  }
0x9f: {  	s4 =	ssub.s32 $0x0, s20;
	[sflag:s22] =	ssyncset.done $0x0  }
0xa0: {  	[sflag:s22] =	ssyncadd.s32 s4;
	_ =	sdelay $0x1  }
0xa1: {  	s23 =	simm.s32 $0x1B8B  }
0xa2: {  	_ =	swait.ge [sflag:s23], $0x1  }
0xa3: {  	[sflag:s23] =	ssyncset.done $0x0  }
0xa4: {  	s25 =	simm.s32 $0x1B8E;
	s24 =	sld [smem:$0x3FFE];
	[sflag:s23] =	ssyncadd.s32 $0xFFFFFFFF  }
0xa5: {  	s26 =	simm.s32 $execute0_lowered;
	[smem:$0x3FD2] =	sst s25  }
0xa6: {  	s5 =	sshll.u32 s26, $0x1;
	_ =	strace $0x80000049;
	[dreg:$0x1] =	wrdreg $0xFFFFFFFF  }
0xa7: {  	s28 =	simm.s32 $_size_execute0_lowered;
	s3 =	sadd.s32 s3, s5;
	[dreg:$0x0] =	wrdreg $0x0  }
0xa8: {  	s5 =	sshll.u32 s28, $0x1;
	[dreg:$0x2] =	wrdreg s3  }
0xa9: {  	[dreg:$0x3] =	wrdreg s5  }
0xaa: {  	[dreg:$0x4] =	wrdreg $0xC0  }
0xab: {  	_ =	task [dreg:s7], $0x5FFFF  }
0xac: {  	[dreg:$0x1] =	wrdreg $0xFFFFFFFF  }
0xad: {  	[dreg:$0x0] =	wrdreg $0x60  }
0xae: {  	[dreg:$0x2] =	wrdreg s2  }
0xaf: {  	[dreg:$0x3] =	wrdreg s24  }
0xb0: {  	[dreg:$0x4] =	wrdreg $0x11D000  }
0xb1: {  	[dreg:$0x5] =	wrdreg $0x9  }
0xb2: {  	_ =	task.clear_ibuf [dreg:s7], $0x6FFFF;
	_ =	strace $0x90000049  }
0xb3: {  	s29 =	simm.s32 $0x9;
	_ =	strace $0x8000004B  }
0xb4: {  	_ =	swait.ge [sflag:s29], $0x1  }
0xb5: {  	[sflag:s29] =	ssyncadd.s32 $0xFFFFFFFF  }
0xb6: {  	_ =	strace $0x9000004B  }
0xb7: {  	_ =	sfence  }
0xb8: {  	s30 =	sld [smem:$0x0];
	_ =	sdelay $0x2  }
0xb9: {  	s31 =	sshll.u32 s1, $0xD;
	s1 =	sshrl.u32 s1, $0x2  }
0xba: {  	s3 =	sand.u32 $0x4000, s31;
	s1 =	sadd.s32 s1, s30  }
0xbb: {  	s0 =	sor.u32 s3, s0;
	s1 =	sshll.u32 s1, $0x11  }
0xbc: {  	s0 =	sor.u32 s1, s0  }
0xbd: {  	s0 =	sadd.s32 $0x8F2B, s0  }
0xbe: {  	[sflag:s0] =	ssyncadd.remote.s32 $0x1  }
0xbf: {  	_ =	sfence.sel $0xFFFF  }
0xc0: {  	[dreg:$0x0] =	wrdreg $0xFFFFFFFF;
	(pc) =	sbr.abs _section_cstart, $3  }
0xc1: {  	[dreg:$0x1] =	wrdreg $0xFFFFFFFF  }
0xc2: {  	_ =	task.clear_ibuf [dreg:s7], $0x2FFFF;
	_ =	strace $0x9FFFFFFF  }
0xc3: {  	(tm) =	ssettm $0x7FFFFFFF  }
tec
execute0_lowered:
.L_overlay_start_1:
0x0: {  	(tag) =	ssettag $0x1  }
0x1: {  	s1 =	rddreg [dreg:$0x0]  }
0x2: {  	s6 =	rddreg [dreg:$0x1]  }
0x3: {  	s3 =	rddreg [dreg:$0x2]  }
0x4: {  	s2 =	srdreg.scid;
	s0 =	stileid.u32;
	s4 =	simm.s32 $0x0  }
0x5: {  	s14 =	simm.s32 $0x7D;
	s15 =	simm.s32 $0xA000;
	s19 =	simm.s32 $0xDE80  }
0x6: {  	s20 =	simm.s32 $0x5180;
	s21 =	simm.s32 $0xFDC0;
	s22 =	simm.s32 $0x1  }
0x7: {  	s23 =	simm.s32 $0x8;
	s24 =	simm.s32 $0x0;
	s9 =	smul.u32 $0x9C80, s0  }
0x8: {  	s7 =	sand.u32 $0x1, s2;
	[smem:$0x7FF] =	sst s4;
	s10 =	smul.u32 $0x27200, s0  }
0x9: {  	s31 =	sshll.u32 s0, $0x6;
	s5 =	sshll.u32 s7, $0x4;
	s8 =	smul.u32 $0x9C800, s7  }
0xa: {  	_ =	strace $0x8000004A;
	s29 =	ssub.s32 $0x2, s7;
	s5 =	sor.u32 s0, s5  }
0xb: {  	s7 =	sshrl.u32 s29, $0x1;
	s30 =	sshrl.u32 s10, $0x2;
	s5 =	smul.u32 $0x500, s5  }
0xc: {  	s8 =	sadd.s32 s9, s8;
	s12 =	ssub.s32 s29, s7;
	s13 =	sadd.s32 s30, s3  }
0xd: {  	s8 =	sshrl.u32 s8, $0x3;
	s10 =	smax.u32 s12, $0x1;
	s12 =	simm.s32 $0x9  }
0xe: {  	s28 =	sadd.s32 s5, s6;
	s5 =	sadd.s32 $0x1A00, s6;
	s11 =	sadd.s32 s8, s6  }
0xf: {  	s6 =	sor.u32 $0x1C09, s31;
	s7 =	sadd.s32 $0x70800, s28;
	s8 =	sadd.s32 $0x66800, s28  }
0x10: {  	s9 =	sadd.s32 $0x2E00, s11;
	s11 =	sshrl.u32 s13, $0x3;
	s13 =	simm.s32 $0x5000  }
.LBB2_1:
0x11: {  	[spmem:s11], [sflag:s6] =	dma.local [hbm:s5], $0x1390  }
0x12: {  	_ =	swait.ge [sflag:s12], $0x1390  }
0x13: {  	[sflag:s12] =	ssyncset.done $0x0  }
0x14: {  	[sflag:s12] =	ssyncadd.s32 $0xFFFFEC70  }
0x15: {  	[bflag:$0x0] =	sbarrier.arrive $0xFFFF  }
0x16: {  	[tilespmem:s4], [sflag:$0x9] =	stream.linear.gather [hbm4b:s7+s4], $0x2800, $0x38;
	[tilespmem:$0x1B980] =	vst v63  }
0x17: {  	_ =	swait.ge [sflag:s12], $0x2800  }
0x18: {  	[sflag:s12] =	ssyncset.done $0x0  }
0x19: {  	[sflag:s12] =	ssyncadd.s32 $0xFFFFD800  }
0x1a: {  	[tilespmem:s13], [sflag:$0x9] =	stream.linear.gather [hbm4b:s8+s4], $0x2800, $0x38;
	[tilespmem:$0x1B980] =	vst v63  }
0x1b: {  	_ =	swait.ge [sflag:s12], $0x2800  }
0x1c: {  	[sflag:s12] =	ssyncset.done $0x0  }
0x1d: {  	[sflag:s12] =	ssyncadd.s32 $0xFFFFD800  }
0x1e: {  	[tilespmem:s15], [sflag:$0x1] =	stream.indirect.gather [hbm4b:s1+s14], $0x40, s13, s14, $0xb8;
	[tilespmem:$0x1B980] =	vst v63  }
0x1f: {  	s0 =	simm.s32 $0x5080;
	s2 =	simm.s32 $0xBF40  }
0x20: {  	[tilespmem:s2], [sflag:$0x2] =	stream.indirect.gather [hbm4b:s1+s14], $0x40, s0, s14, $0xb8;
	[tilespmem:$0x1B980] =	vst v63  }
0x21: {  	s17 =	simm.s32 $0x5100  }
0x22: {  	[tilespmem:s19], [sflag:$0x3] =	stream.indirect.gather [hbm4b:s1+s14], $0x40, s17, s14, $0xb8;
	[tilespmem:$0x1B980] =	vst v63  }
0x23: {  	_ = 	snop  }
0x24: {  	[tilespmem:s21], [sflag:$0x4] =	stream.indirect.gather [hbm4b:s1+s14], $0x40, s20, s14, $0xb8;
	[tilespmem:$0x1B980] =	vst v63  }
0x25: {  	s25 =	simm.s32 $0x4;
	p0 =	por $0x0, $0x0;
	_ =	swait.ge [sflag:s22], $0x1F40  }
0x26: {  	s28 =	simm.s32 $0x1;
	s25 =	sand.u32 $0x3, s25;
	[sflag:s22] =	ssyncset.done $0x0  }
0x27: {  	s29 =	sadd.s32 $0x5, s25;
	s30 =	smul.u32 @!p0 $0x7D00, s25;
	[sflag:s22] =	ssyncadd.s32 $0xFFFFE0C0  }
0x28: {  	[spmem:s3] =	stream.indirect.scatter.add.f32 [tilespmem:s15], [sflag:$0x5], $0x40, s4, s14, $0xb8;
	[tilespmem:$0x1B980] =	vst v63  }
0x29: {  	s26 =	simm.s32 $0x5200;
	s31 =	sand.u32 $0x3, s28;
	_ =	swait.ge [sflag:s29], $0x1F40  }
0x2a: {  	s25 =	sadd.s32 @!p0 $0x1, s25;
	s28 =	sshrl.u32 @!p0 s30, $0x2;
	[sflag:s29] =	ssyncset.done $0x0  }
0x2b: {  	s28 =	sadd.s32 @!p0 $0xA000, s28;
	[sflag:s29] =	ssyncadd.s32 $0xFFFFE0C0;
	s29 =	simm.s32 @!p0 $0x7D  }
0x2c: {  	[tilespmem:s28], [sflag:s25] =	stream.indirect.gather @!p0 [hbm4b:s1+s29], $0x40, s26, s29, $0xb8;
	[tilespmem:$0x1B980] =	vst v63  }
0x2d: {  	s18 =	sadd.s32 $0x1, s31;
	s28 =	smul.u32 $0x7D00, s31;
	s25 =	simm.s32 $0x80  }
0x2e: {  	s26 =	simm.s32 $0x5;
	s29 =	simm.s32 $0x5280;
	_ =	swait.ge [sflag:s18], $0x1F40  }
0x2f: {  	s31 =	sadd.s32 $0x5, s31;
	[sflag:s18] =	ssyncset.done $0x0;
	s30 =	sshrl.u32 s28, $0x2  }
0x30: {  	s28 =	simm.s32 $0x100;
	[sflag:s18] =	ssyncadd.s32 $0xFFFFE0C0;
	s30 =	sadd.s32 $0xA000, s30  }
.LBB2_2:
0x31: {  	[spmem:s3] =	stream.indirect.scatter.add.f32 [tilespmem:s30], [sflag:s31], $0x40, s25, s14, $0xb8;
	[tilespmem:$0x1B980] =	vst v63  }
0x32: {  	s0 =	smov.u32 s26;
	s25 =	smov.u32 s28  }
0x33: {  	s26 =	sadd.s32 $0x1, s26;
	s30 =	sadd.s32 $0xFFFFFFFD, s0  }
0x34: {  	s0 =	sand.u32 $0x3, s0;
	s31 =	sand.u32 $0x3, s30;
	p0 =	sgt.u32 s30, $0x4C  }
0x35: {  	s30 =	sadd.s32 $0x5, s0;
	s2 =	smul.u32 @!p0 $0x7D00, s0;
	s0 =	sadd.s32 @!p0 $0x1, s0  }
0x36: {  	s16 =	sadd.s32 $0x1, s31;
	s17 =	smul.u32 $0x7D00, s31;
	_ =	swait.ge [sflag:s30], $0x1F40  }
0x37: {  	s18 =	simm.s32 @!p0 $0x7D;
	[sflag:s30] =	ssyncset.done $0x0;
	s2 =	sshrl.u32 @!p0 s2, $0x2  }
0x38: {  	[sflag:s30] =	ssyncadd.s32 $0xFFFFE0C0;
	s2 =	sadd.s32 @!p0 $0xA000, s2  }
0x39: {  	[tilespmem:s2], [sflag:s0] =	stream.indirect.gather @!p0 [hbm4b:s1+s18], $0x40, s29, s18, $0xb8;
	[tilespmem:$0x1B980] =	vst v63  }
0x3a: {  	p0 =	sne.s32 s26, $0x53  }
.Ltmp0:
0x3b: {  	_ = 	snop;
	(pc) =	sbr.rel @p0 .LBB2_2-.Ltmp0, $4  }
0x3c: {  	_ = 	snop  }
0x3d: {  	s0 =	sshrl.u32 s17, $0x2;
	_ =	swait.ge [sflag:s16], $0x1F40  }
0x3e: {  	s28 =	sadd.s32 $0x80, s28;
	s29 =	sadd.s32 $0x80, s29;
	[sflag:s16] =	ssyncset.done $0x0  }
0x3f: {  	s31 =	sadd.s32 $0x5, s31;
	s30 =	sadd.s32 $0xA000, s0;
	[sflag:s16] =	ssyncadd.s32 $0xFFFFE0C0  }
0x40: {  	[spmem:s3] =	stream.indirect.scatter.add.f32 [tilespmem:s30], [sflag:s31], $0x40, s25, s14, $0xb8;
	[tilespmem:$0x1B980] =	vst v63  }
0x41: {  	_ =	swait.ge [sflag:s23], $0x1F40  }
0x42: {  	s24 =	sadd.s32 $0x1, s24;
	[sflag:s23] =	ssyncset.done $0x0  }
0x43: {  	p0 =	sne.s32 s24, s10;
	[sflag:s23] =	ssyncadd.s32 $0xFFFFE0C0  }
.Ltmp1:
0x44: {  	[bflag:$0x0] =	sbarrier.arrive $0xFFFF;
	(pc) =	sbr.rel @p0 .LBB2_1-.Ltmp1, $4  }
0x45: {  	[hbm:s9], [sflag:s6] =	dma.local [spmem:s11], $0x1390  }
0x46: {  	_ =	swait.ge [sflag:s12], $0x1390  }
0x47: {  	[sflag:s12] =	ssyncset.done $0x0  }
0x48: {  	[sflag:s12] =	ssyncadd.s32 $0xFFFFEC70  }
0x49: {  	_ =	sfence.sel $0x180000  }
0x4a: {  	[bflag:$0x0] =	sbarrier.arrive $0xFFFF  }
0x4b: {  	_ =	strace $0x9000004A  }
0x4c: {  	s0 =	stileid.u32;
	[bflag:$0x2] =	sbarrier.arrive $0xFFFF  }
0x4d: {  	p0 =	sne.s32 s0, $0x0;
	s0 =	rddreg [dreg:$0x3]  }
0x4e: {  	s0 =	sadd.s32 @!p0 $0x100000, s0  }
0x4f: {  	[sflag:s0] =	ssyncadd.tile.s32 @!p0 $0x1;
	_ =	shalt  }
.Lfunc_end2:
_tile_overlayer_lowered:
.L_overlay_start_2:
0x50: {  	(tag) =	ssettag $0x2  }
0x51: {  	s0 =	rddreg [dreg:$0x0];
	s2 =	stileid.u32  }
0x52: {  	s1 =	rddreg [dreg:$0x1];
	p0 =	sne.s32 s2, $0x0  }
0x53: {  	s3 =	rddreg [dreg:$0x2];
	[bflag:$0x3] =	sbarrier.arrive $0xFFFF;
	s2 =	simm.s32 @!p0 $0x1C09  }
0x54: {  	[timem:s3], [sflag:s2] =	dma.local @!p0 [hbm:s0], s1  }
0x55: {  	s0 =	simm.s32 @!p0 $0x9  }
0x56: {  	_ =	swait.ge @!p0 [sflag:s0], s1  }
0x57: {  	s1 =	ssub.s32 @!p0 $0x0, s1;
	[sflag:s0] =	ssyncset.done @!p0 $0x0  }
0x58: {  	[sflag:s0] =	ssyncadd.s32 @!p0 s1  }
0x59: {  	[bflag:$0x3] =	sbarrier.arrive $0xFFFF  }
0x5a: {  	_ =	shalt  }

</sc_bundles>
